<compile_context>
chip_gen: v7x
topology: tpu7x:2x2x1
jax: 0.10.2.dev20260603
libtpu: 0.0.44.dev20260713+nightly
codegen_flags: <defaults>
</compile_context>

<pallas_src>
import functools

import jax
import jax.numpy as jnp
from jax import lax
from jax.experimental import pallas as pl
from jax.experimental.pallas import tpu as pltpu
from jax.experimental.pallas import tpu_sc as plsc

_NC, _NS = 2, 16
_NW = _NC * _NS
_SUB = 128
_NSUB = 3
_CHUNK = _SUB * _NSUB


def _sc_gather(table, idx, r_pad):
    w = table.shape[1]
    bpw = r_pad // _NW
    nchunk = bpw // _CHUNK
    mesh = plsc.VectorSubcoreMesh(core_axis_name="c", subcore_axis_name="s")

    @functools.partial(
        pl.kernel,
        mesh=mesh,
        out_type=jax.ShapeDtypeStruct((r_pad, w), jnp.float32),
        scratch_types=[
            pltpu.VMEM((_CHUNK,), jnp.int32),
            pltpu.VMEM((_CHUNK,), jnp.int32),
            pltpu.VMEM((_CHUNK, w), jnp.float32),
            pltpu.VMEM((_CHUNK, w), jnp.float32),
            pltpu.SemaphoreType.DMA,
            pltpu.SemaphoreType.DMA,
            pltpu.SemaphoreType.DMA,
            pltpu.SemaphoreType.DMA,
        ],
    )
    def gk(table_hbm, idx_hbm, out_hbm, idx0, idx1, rows0, rows1,
           sg0, sg1, sw0, sw1):
        wid = lax.axis_index("s") * _NC + lax.axis_index("c")
        base = wid * bpw
        npair = nchunk // 2

        def fire_gather(idx_v, rows_v, sem):
            for i in range(_NSUB):
                pltpu.async_copy(
                    table_hbm.at[idx_v.at[pl.ds(i * _SUB, _SUB)]],
                    rows_v.at[pl.ds(i * _SUB, _SUB)], sem)

        def wait_gather(idx_v, rows_v, sem):
            for i in range(_NSUB):
                pltpu.make_async_copy(
                    table_hbm.at[idx_v.at[pl.ds(i * _SUB, _SUB)]],
                    rows_v.at[pl.ds(i * _SUB, _SUB)], sem).wait()

        pltpu.sync_copy(idx_hbm.at[pl.ds(base, _CHUNK)], idx0)
        fire_gather(idx0, rows0, sg0)

        def body(g, carry):
            off0 = pl.multiple_of(base + (2 * g) * _CHUNK, _CHUNK)
            off1 = pl.multiple_of(base + (2 * g + 1) * _CHUNK, _CHUNK)
            off2 = pl.multiple_of(base + (2 * g + 2) * _CHUNK, _CHUNK)
            pltpu.sync_copy(idx_hbm.at[pl.ds(off1, _CHUNK)], idx1)

            @pl.when(g > 0)
            def _():
                pltpu.make_async_copy(
                    rows1, out_hbm.at[pl.ds(off1 - 2 * _CHUNK, _CHUNK)],
                    sw1).wait()

            wait_gather(idx0, rows0, sg0)
            pltpu.async_copy(rows0, out_hbm.at[pl.ds(off0, _CHUNK)], sw0)
            fire_gather(idx1, rows1, sg1)

            @pl.when(g < npair - 1)
            def _():
                pltpu.sync_copy(idx_hbm.at[pl.ds(off2, _CHUNK)], idx0)
                pltpu.make_async_copy(
                    rows0, out_hbm.at[pl.ds(off0, _CHUNK)], sw0).wait()

            wait_gather(idx1, rows1, sg1)
            pltpu.async_copy(rows1, out_hbm.at[pl.ds(off1, _CHUNK)], sw1)

            @pl.when(g < npair - 1)
            def _():
                fire_gather(idx0, rows0, sg0)

            return carry

        lax.fori_loop(0, npair, body, 0)
        last0 = pl.multiple_of(base + (nchunk - 2) * _CHUNK, _CHUNK)
        last1 = pl.multiple_of(base + (nchunk - 1) * _CHUNK, _CHUNK)
        pltpu.make_async_copy(rows0, out_hbm.at[pl.ds(last0, _CHUNK)], sw0).wait()
        pltpu.make_async_copy(rows1, out_hbm.at[pl.ds(last1, _CHUNK)], sw1).wait()

    return gk(table, idx)


_PAIRS = [(0, 1), (0, 2), (0, 3), (1, 2), (1, 3), (2, 3)]
_TRIPLES = [(i, j, k) for i in range(3) for j in range(i + 1, 4)
            for k in range(j + 1, 5)]


def _tc_body(g_ref, w1t_ref, w2t_ref, wot_ref, attv_ref,
             out_ref, score_ref):
    _, kp, t, c = g_ref.shape
    gi = g_ref[0]
    gj = g_ref[1]
    w1t = w1t_ref[...]
    w2t = w2t_ref[...]
    wot = wot_ref[...]
    attv = attv_ref[...]

    def mm(a3, w):
        a2 = a3.reshape(kp * t, c)
        if a2.dtype != jnp.bfloat16:
            a2 = a2.astype(jnp.bfloat16)
        r = lax.dot_general(a2, w.astype(jnp.bfloat16), (((1,), (0,)), ((), ())),
                            preferred_element_type=jnp.float32,
                            precision=lax.Precision.DEFAULT)
        return r.reshape(kp, t, c)

    a1_0 = mm(gi, w1t)
    a1_1 = mm(gj, w1t)
    a2_0 = mm(gi, w2t)
    a2_1 = mm(gj, w2t)
    a1s = [a1_0, a1_1, a1_0 - a1_1]
    d = gi - gj
    nr = jnp.sqrt(jnp.sum(d * d, axis=2, keepdims=True))
    w2sum = jnp.sum(w2t, axis=0, keepdims=True)[None]
    a2s = [a2_0, a2_1, a2_0 - a2_1,
           a2_0 - jnp.mean(a2_0, axis=0, keepdims=True),
           nr * w2sum]

    firs = {}
    f1s = {}
    for (i, j) in _PAIRS:
        fir = jnp.maximum(a1s[i] + a2s[j], 0.0)
        firs[(i, j)] = fir
        f1s[(i, j)] = mm(fir, w1t)
    nn = firs[(0, 1)]

    nn_hi = jnp.max(nn, axis=0, keepdims=True)
    nn_lo = jnp.min(nn, axis=0, keepdims=True)
    contribs = []
    for o, (i, j, k) in enumerate(_TRIPLES):
        op = jnp.maximum(f1s[(i, j)] + a2s[k], 0.0)
        out_ref[o] = jnp.maximum(jnp.max(mm(op, wot), axis=0), 0.0)
        cv = attv[o][None, None, :]
        base = jnp.where(cv >= 0, nn_hi, nn_lo)
        e = jnp.exp(cv * (nn - base))
        s = jnp.sum(e, axis=0)
        w_ = jnp.sum(e * op, axis=0)
        contribs.append(jnp.sum(w_ / s, axis=0)[None, :])
    contribs = jnp.concatenate(
        contribs + [jnp.zeros((6, c), jnp.float32)], axis=0)

    @pl.when(pl.program_id(0) == 0)
    def _():
        score_ref[...] = contribs

    @pl.when(pl.program_id(0) != 0)
    def _():
        score_ref[...] = score_ref[...] + contribs


def _tc_call(g4, w1t, w2t, wot, attv):
    _, kp, n, c = g4.shape
    t_ = 200
    return pl.pallas_call(
        _tc_body,
        grid=(n // t_,),
        in_specs=[
            pl.BlockSpec((2, kp, t_, c), lambda i: (0, 0, i, 0)),
            pl.BlockSpec((c, c), lambda i: (0, 0)),
            pl.BlockSpec((c, c), lambda i: (0, 0)),
            pl.BlockSpec((c, c), lambda i: (0, 0)),
            pl.BlockSpec((16, c), lambda i: (0, 0)),
        ],
        out_specs=[
            pl.BlockSpec((10, t_, c), lambda i: (0, i, 0)),
            pl.BlockSpec((16, c), lambda i: (0, 0)),
        ],
        out_shape=[
            jax.ShapeDtypeStruct((10, n, c), jnp.float32),
            jax.ShapeDtypeStruct((16, c), jnp.float32),
        ],
    )(g4, w1t, w2t, wot, attv)


def kernel(x, edge_index, W_nn, W_out, att):
    n = x.shape[2]
    c = x.shape[1]
    k = edge_index.shape[3]
    kp = k + 1
    xT = jnp.transpose(x[0, :, :, 0])
    ei = edge_index.astype(jnp.int32)
    self_row = jnp.arange(n, dtype=jnp.int32)[None]
    idx_i = jnp.concatenate([jnp.transpose(ei[1, 0]), self_row], axis=0)
    idx_j = jnp.concatenate([jnp.transpose(ei[0, 0]), self_row], axis=0)

    n2 = n // 2
    r_h = 2 * kp * n2
    r_pad = ((r_h + _NW * _CHUNK - 1) // (_NW * _CHUNK)) * (_NW * _CHUNK)
    g4s = []
    for h in range(2):
        sl = slice(h * n2, (h + 1) * n2)
        idx_h = jnp.concatenate(
            [idx_i[:, sl].reshape(-1), idx_j[:, sl].reshape(-1),
             jnp.zeros((r_pad - r_h,), jnp.int32)])
        g = _sc_gather(xT, idx_h, r_pad)
        g4s.append(g[:r_h].reshape(2, kp, n2, c))

    w1t = jnp.transpose(W_nn[:, :c])
    w2t = jnp.transpose(W_nn[:, c:])
    wot = jnp.transpose(W_out)
    cv = jnp.where(att >= 0, att, 0.2 * att).reshape(10, 1)
    attv = jnp.zeros((16, c), jnp.float32).at[:10].set(
        jnp.broadcast_to(cv, (10, c)))

    out0, part0 = _tc_call(g4s[0], w1t, w2t, wot, attv)
    out1, part1 = _tc_call(g4s[1], w1t, w2t, wot, attv)

    score = jnp.sum(part0[:10] + part1[:10], axis=1)
    index = jnp.argmax(score)
    sel = jnp.concatenate(
        [jnp.take(out0, index, axis=0), jnp.take(out1, index, axis=0)],
        axis=0)
    return jnp.transpose(sel)[None, :, :, None]

# --- scband reference (transcript-rebuilt; emitter-appended) ---
"""Pipeline reference for scband-conv1-21328807592391 (READ-ONLY COPY).

The authoritative reference and input builder live on the scoring server;
editing this copy changes nothing except your own understanding.
"""

import jax, jax.numpy as jnp
import numpy as np

B, C, N, K = 1, 128, 10000, 16
NEG_SLOPE = 0.2


def batched_index_select(x, idx):
    # x: [B, C, N, 1], idx: [B, N, K] -> [B, C, N, K]
    feat = x[..., 0]  # [B, C, N]
    def one(f, i):
        return jnp.take(f, i.reshape(-1), axis=1).reshape(f.shape[0], i.shape[0], i.shape[1])
    return jax.vmap(one)(feat, idx)


def add_self_loops(edge_index):
    # [2, B, N, K] -> [2, B, N, K+1]
    _, b, n, k = edge_index.shape
    self_idx = jnp.broadcast_to(jnp.arange(n, dtype=edge_index.dtype)[None, :, None], (b, n, 1))
    loops = jnp.stack([self_idx, self_idx], axis=0)
    return jnp.concatenate([edge_index, loops], axis=-1)


def basic_conv_cat(W, a, b):
    # BasicConv([2*C, C]) = 1x1 Conv2d(no bias) + ReLU, applied to concat([a, b], dim=1)
    # computed as split matmul to avoid materializing the concat
    c = a.shape[1]
    return jax.nn.relu(jnp.einsum('oc,bcnk->bonk', W[:, :c], a) + jnp.einsum('oc,bcnk->bonk', W[:, c:], b))


def _forward(x, W_nn, W_out, att, edge_index):
    ei = add_self_loops(edge_index)
    x_i = batched_index_select(x, ei[1])
    x_j = batched_index_select(x, ei[0])
    xij_sub = x_i - x_j
    m_i = jnp.mean(x_i, axis=-1, keepdims=True)
    xce_sub = x_i - m_i
    vij = x_i - x_j
    xij_eud = jnp.broadcast_to(jnp.linalg.norm(vij, axis=1)[:, None, :, :], x_i.shape)
    atoms = [x_i, x_j, xij_sub, xce_sub, xij_eud]
    n_ops = len(atoms)
    ops = []
    for i in range(n_ops):
        for j in range(i, n_ops):
            if i == j:
                continue
            fir = basic_conv_cat(W_nn, atoms[i], atoms[j])
            for k in range(j, n_ops):
                if i == k or j == k:
                    continue
                ops.append(basic_conv_cat(W_nn, fir, atoms[k]))
    op_stack = jnp.stack(ops, axis=0)  # [10, B, C, N, K+1]
    # torch detaches here (.cpu().detach().numpy()) -> stop_gradient
    op_tensor = jnp.mean(jax.lax.stop_gradient(op_stack), axis=1)[:, None]  # [10, 1, C, N, K+1]
    nn_out = basic_conv_cat(W_nn, x_i, x_j)  # [B, C, N, K+1]
    alpha = jnp.sum(nn_out[None] * att, axis=1, keepdims=True)  # [10, 1, C, N, K+1]
    alpha = jax.nn.leaky_relu(alpha, NEG_SLOPE)
    alpha = jax.nn.softmax(alpha, axis=-1)
    denom = op_tensor.shape[2] * op_tensor.shape[3] * op_tensor.shape[4]
    # score.mean(dim=2).mean(dim=3).mean(dim=4) computed without materializing score
    score_mean = jnp.einsum('abcnk,abcnk->ab', alpha, op_tensor) / denom  # [10, 1]
    index = jnp.argmax(score_mean[:, 0])  # top-1 along op axis
    sel = jnp.take(op_stack, index, axis=0)  # [B, C, N, K+1]
    out = jax.nn.relu(jnp.einsum('oc,bcnk->bonk', W_out, sel))
    out_value = jnp.max(out, axis=-1, keepdims=True)  # [B, C, N, 1]
    return out_value


def setup_inputs(seed: int = 0):
    key = jax.random.key(seed)
    k1, k2, k3, k4, k5 = jax.random.split(key, 5)
    x = jax.random.normal(k1, (B, C, N, 1), dtype=jnp.float32)
    edge_index = jax.random.randint(k2, (2, B, N, K), 0, N)
    s_nn = float(np.sqrt(6.0 / (2 * C + C)))
    W_nn = jax.random.uniform(k3, (C, 2 * C), dtype=jnp.float32, minval=-s_nn, maxval=s_nn)
    s_out = float(np.sqrt(6.0 / (C + C)))
    W_out = jax.random.uniform(k4, (C, C), dtype=jnp.float32, minval=-s_out, maxval=s_out)
    s_att = float(np.sqrt(6.0 / 11.0))
    att = jax.random.uniform(k5, (10, 1, 1, 1, 1), dtype=jnp.float32, minval=-s_att, maxval=s_att)
    return {"x": x, "edge_index": edge_index, "W_nn": W_nn, "W_out": W_out, "att": att}


def reference(x, edge_index, W_nn, W_out, att):
    return _forward(x, W_nn, W_out, att, edge_index)

if __name__ == "__main__":
    import jax
    _d = setup_inputs()
    print(jax.jit(kernel)(*tuple(_d.values())))

</pallas_src>

<mosaic_0001>
#map = affine_map<(d0, d1) -> (0, 0)>
#map1 = affine_map<(d0, d1) -> (0)>
module attributes {stable_mosaic.version = 14 : i64} {
  func.func @gk(%arg0: i32, %arg1: i32, %arg2: memref<10000x128xf32, #tpu.memory_space<hbm>>, %arg3: memref<172032xi32, #tpu.memory_space<hbm>>, %arg4: memref<172032x128xf32, #tpu.memory_space<hbm>>, %arg5: memref<384xi32, #tpu.memory_space<vmem>>, %arg6: memref<384xi32, #tpu.memory_space<vmem>>, %arg7: memref<384x128xf32, #tpu.memory_space<vmem>>, %arg8: memref<384x128xf32, #tpu.memory_space<vmem>>, %arg9: memref<!tpu.dma_semaphore, #tpu.memory_space<semaphore_mem>>, %arg10: memref<!tpu.dma_semaphore, #tpu.memory_space<semaphore_mem>>, %arg11: memref<!tpu.dma_semaphore, #tpu.memory_space<semaphore_mem>>, %arg12: memref<!tpu.dma_semaphore, #tpu.memory_space<semaphore_mem>>) attributes {dimension_semantics = [#tpu.dimension_semantics<core_parallel>, #tpu.dimension_semantics<subcore_parallel>], iteration_bounds = array<i64: 2, 16>, scalar_prefetch = 0 : i64, scratch_operands = 8 : i64, tpu.core_type = #tpu.core_type<sc_vector_subcore>, window_params = [{transform_indices = #map}, {transform_indices = #map1}, {transform_indices = #map}]} {
    %mul3A = arith.constant 2 : i32
    %mul3A_0 = arith.muli %arg1, %mul3A : i32
    %add3A = arith.addi %mul3A_0, %arg0 : i32
    %mul3A_1 = arith.constant 5376 : i32
    %mul3A_2 = arith.muli %add3A, %mul3A_1 : i32
    "tpu.region"() ({
      %run_scoped3A = tpu.sem_alloc : memref<!tpu.dma_semaphore, #tpu.memory_space<semaphore_mem>>
      %dma_start3A_43 = tpu.memref_slice %arg3[%mul3A_2] : memref<172032xi32, #tpu.memory_space<hbm>> -> memref<384xi32, #tpu.memory_space<hbm>>
      %dma_start3A_44 = tpu.memref_slice %arg3[%mul3A_2] : memref<172032xi32, #tpu.memory_space<hbm>> -> memref<384xi32, #tpu.memory_space<hbm>>
      tpu.enqueue_dma source(%dma_start3A_44 : memref<384xi32, #tpu.memory_space<hbm>>) target(%arg5 : memref<384xi32, #tpu.memory_space<vmem>>) target_semaphore(%run_scoped3A : memref<!tpu.dma_semaphore, #tpu.memory_space<semaphore_mem>>)
      %dma_wait3A_45 = tpu.memref_slice %arg3[%mul3A_2] : memref<172032xi32, #tpu.memory_space<hbm>> -> memref<384xi32, #tpu.memory_space<hbm>>
      %dma_wait3A_46 = tpu.memref_slice %arg3[%mul3A_2] : memref<172032xi32, #tpu.memory_space<hbm>> -> memref<384xi32, #tpu.memory_space<hbm>>
      tpu.wait_dma2 semaphore(%run_scoped3A : memref<!tpu.dma_semaphore, #tpu.memory_space<semaphore_mem>>) src(%dma_wait3A_46 : memref<384xi32, #tpu.memory_space<hbm>>) dst(%arg5 : memref<384xi32, #tpu.memory_space<vmem>>)
      tpu.yield
    }) : () -> ()
    %dma_start3A = arith.constant 0 : i32
    %dma_start3A_3 = arith.constant 0 : i32
    %dma_start3A_4 = tpu.memref_slice %arg7[%dma_start3A, %dma_start3A_3] : memref<384x128xf32, #tpu.memory_space<vmem>> -> memref<128x128xf32, #tpu.memory_space<vmem>>
    %dma_start3A_5 = arith.constant 0 : i32
    %dma_start3A_6 = tpu.memref_slice %arg5[%dma_start3A_5] : memref<384xi32, #tpu.memory_space<vmem>> -> memref<128xi32, #tpu.memory_space<vmem>>
    %dma_start3A_7 = arith.constant 0 : i32
    %dma_start3A_8 = arith.constant 0 : i32
    %dma_start3A_9 = tpu.memref_slice %arg2[%dma_start3A_7, %dma_start3A_8] : memref<10000x128xf32, #tpu.memory_space<hbm>> -> memref<10000x128xf32, #tpu.memory_space<hbm>>
    tpu.enqueue_indirect_dma source(%dma_start3A_9 : memref<10000x128xf32, #tpu.memory_space<hbm>>) target(%dma_start3A_4 : memref<128x128xf32, #tpu.memory_space<vmem>>) offsets(%dma_start3A_6 : memref<128xi32, #tpu.memory_space<vmem>>) semaphore(%arg9 : memref<!tpu.dma_semaphore, #tpu.memory_space<semaphore_mem>>)
    %dma_start3A_10 = arith.constant 128 : i32
    %dma_start3A_11 = arith.constant 0 : i32
    %dma_start3A_12 = tpu.memref_slice %arg7[%dma_start3A_10, %dma_start3A_11] : memref<384x128xf32, #tpu.memory_space<vmem>> -> memref<128x128xf32, #tpu.memory_space<vmem>>
    %dma_start3A_13 = arith.constant 128 : i32
    %dma_start3A_14 = tpu.memref_slice %arg5[%dma_start3A_13] : memref<384xi32, #tpu.memory_space<vmem>> -> memref<128xi32, #tpu.memory_space<vmem>>
    %dma_start3A_15 = arith.constant 0 : i32
    %dma_start3A_16 = arith.constant 0 : i32
    %dma_start3A_17 = tpu.memref_slice %arg2[%dma_start3A_15, %dma_start3A_16] : memref<10000x128xf32, #tpu.memory_space<hbm>> -> memref<10000x128xf32, #tpu.memory_space<hbm>>
    tpu.enqueue_indirect_dma source(%dma_start3A_17 : memref<10000x128xf32, #tpu.memory_space<hbm>>) target(%dma_start3A_12 : memref<128x128xf32, #tpu.memory_space<vmem>>) offsets(%dma_start3A_14 : memref<128xi32, #tpu.memory_space<vmem>>) semaphore(%arg9 : memref<!tpu.dma_semaphore, #tpu.memory_space<semaphore_mem>>)
    %dma_start3A_18 = arith.constant 256 : i32
    %dma_start3A_19 = arith.constant 0 : i32
    %dma_start3A_20 = tpu.memref_slice %arg7[%dma_start3A_18, %dma_start3A_19] : memref<384x128xf32, #tpu.memory_space<vmem>> -> memref<128x128xf32, #tpu.memory_space<vmem>>
    %dma_start3A_21 = arith.constant 256 : i32
    %dma_start3A_22 = tpu.memref_slice %arg5[%dma_start3A_21] : memref<384xi32, #tpu.memory_space<vmem>> -> memref<128xi32, #tpu.memory_space<vmem>>
    %dma_start3A_23 = arith.constant 0 : i32
    %dma_start3A_24 = arith.constant 0 : i32
    %dma_start3A_25 = tpu.memref_slice %arg2[%dma_start3A_23, %dma_start3A_24] : memref<10000x128xf32, #tpu.memory_space<hbm>> -> memref<10000x128xf32, #tpu.memory_space<hbm>>
    tpu.enqueue_indirect_dma source(%dma_start3A_25 : memref<10000x128xf32, #tpu.memory_space<hbm>>) target(%dma_start3A_20 : memref<128x128xf32, #tpu.memory_space<vmem>>) offsets(%dma_start3A_22 : memref<128xi32, #tpu.memory_space<vmem>>) semaphore(%arg9 : memref<!tpu.dma_semaphore, #tpu.memory_space<semaphore_mem>>)
    %scan3A = arith.constant 0 : i32
    %scan3A_26 = arith.constant 0 : i32
    %scan3A_27 = arith.constant 7 : i32
    %scan3A_28 = arith.addi %scan3A_26, %scan3A_27 : i32
    %scan3A_29 = arith.constant 1 : i32
    scf.for %scan3A_43 = %scan3A_26 to %scan3A_28 step %scan3A_29  : i32 {
      %mul3A_44 = arith.constant 2 : i32
      %mul3A_45 = arith.muli %mul3A_44, %scan3A_43 : i32
      %mul3A_46 = arith.constant 384 : i32
      %mul3A_47 = arith.muli %mul3A_45, %mul3A_46 : i32
      %add3A_48 = arith.addi %mul3A_2, %mul3A_47 : i32
      %multiple_of3A_49 = tpu.assume_multiple %add3A_48, 384 : i32
      %mul3A_50 = arith.constant 2 : i32
      %mul3A_51 = arith.muli %mul3A_50, %scan3A_43 : i32
      %add3A_52 = arith.constant 1 : i32
      %add3A_53 = arith.addi %mul3A_51, %add3A_52 : i32
      %mul3A_54 = arith.constant 384 : i32
      %mul3A_55 = arith.muli %add3A_53, %mul3A_54 : i32
      %add3A_56 = arith.addi %mul3A_2, %mul3A_55 : i32
      %multiple_of3A_57 = tpu.assume_multiple %add3A_56, 384 : i32
      %mul3A_58 = arith.constant 2 : i32
      %mul3A_59 = arith.muli %mul3A_58, %scan3A_43 : i32
      %add3A_60 = arith.constant 2 : i32
      %add3A_61 = arith.addi %mul3A_59, %add3A_60 : i32
      %mul3A_62 = arith.constant 384 : i32
      %mul3A_63 = arith.muli %add3A_61, %mul3A_62 : i32
      %add3A_64 = arith.addi %mul3A_2, %mul3A_63 : i32
      %multiple_of3A_65 = tpu.assume_multiple %add3A_64, 384 : i32
      "tpu.region"() ({
        %run_scoped3A = tpu.sem_alloc : memref<!tpu.dma_semaphore, #tpu.memory_space<semaphore_mem>>
        %dma_start3A_157 = tpu.memref_slice %arg3[%multiple_of3A_57] : memref<172032xi32, #tpu.memory_space<hbm>> -> memref<384xi32, #tpu.memory_space<hbm>>
        %dma_start3A_158 = tpu.memref_slice %arg3[%multiple_of3A_57] : memref<172032xi32, #tpu.memory_space<hbm>> -> memref<384xi32, #tpu.memory_space<hbm>>
        tpu.enqueue_dma source(%dma_start3A_158 : memref<384xi32, #tpu.memory_space<hbm>>) target(%arg6 : memref<384xi32, #tpu.memory_space<vmem>>) target_semaphore(%run_scoped3A : memref<!tpu.dma_semaphore, #tpu.memory_space<semaphore_mem>>)
        %dma_wait3A_159 = tpu.memref_slice %arg3[%multiple_of3A_57] : memref<172032xi32, #tpu.memory_space<hbm>> -> memref<384xi32, #tpu.memory_space<hbm>>
        %dma_wait3A_160 = tpu.memref_slice %arg3[%multiple_of3A_57] : memref<172032xi32, #tpu.memory_space<hbm>> -> memref<384xi32, #tpu.memory_space<hbm>>
        tpu.wait_dma2 semaphore(%run_scoped3A : memref<!tpu.dma_semaphore, #tpu.memory_space<semaphore_mem>>) src(%dma_wait3A_160 : memref<384xi32, #tpu.memory_space<hbm>>) dst(%arg6 : memref<384xi32, #tpu.memory_space<vmem>>)
        tpu.yield
      }) : () -> ()
      %gt3A = arith.constant 0 : i32
      %gt3A_66 = arith.cmpi sgt, %scan3A_43, %gt3A : i32
      %convert_element_type3A = arith.extui %gt3A_66 : i1 to i32
      %cond3A = arith.constant 0 : i32
      %cond3A_67 = arith.cmpi ne, %convert_element_type3A, %cond3A : i32
      scf.if %cond3A_67 {
        %sub3A = arith.constant 768 : i32
        %sub3A_157 = arith.subi %multiple_of3A_57, %sub3A : i32
        %dma_wait3A_158 = arith.constant 0 : i32
        %dma_wait3A_159 = tpu.memref_slice %arg4[%sub3A_157, %dma_wait3A_158] : memref<172032x128xf32, #tpu.memory_space<hbm>> -> memref<384x128xf32, #tpu.memory_space<hbm>>
        %dma_wait3A_160 = arith.constant 0 : i32
        %dma_wait3A_161 = tpu.memref_slice %arg4[%sub3A_157, %dma_wait3A_160] : memref<172032x128xf32, #tpu.memory_space<hbm>> -> memref<384x128xf32, #tpu.memory_space<hbm>>
        tpu.wait_dma2 semaphore(%arg12 : memref<!tpu.dma_semaphore, #tpu.memory_space<semaphore_mem>>) src(%arg8 : memref<384x128xf32, #tpu.memory_space<vmem>>) dst(%dma_wait3A_161 : memref<384x128xf32, #tpu.memory_space<hbm>>)
      } else {
      }
      %dma_wait3A_68 = arith.constant 0 : i32
      %dma_wait3A_69 = arith.constant 0 : i32
      %dma_wait3A_70 = tpu.memref_slice %arg7[%dma_wait3A_68, %dma_wait3A_69] : memref<384x128xf32, #tpu.memory_space<vmem>> -> memref<128x128xf32, #tpu.memory_space<vmem>>
      %dma_wait3A_71 = arith.constant 0 : i32
      %dma_wait3A_72 = tpu.memref_slice %arg5[%dma_wait3A_71] : memref<384xi32, #tpu.memory_space<vmem>> -> memref<128xi32, #tpu.memory_space<vmem>>
      %dma_wait3A_73 = arith.constant 0 : i32
      %dma_wait3A_74 = arith.constant 0 : i32
      %dma_wait3A_75 = tpu.memref_slice %arg2[%dma_wait3A_73, %dma_wait3A_74] : memref<10000x128xf32, #tpu.memory_space<hbm>> -> memref<10000x128xf32, #tpu.memory_space<hbm>>
      tpu.wait_indirect_dma semaphore(%arg9 : memref<!tpu.dma_semaphore, #tpu.memory_space<semaphore_mem>>) src(%dma_wait3A_75 : memref<10000x128xf32, #tpu.memory_space<hbm>>) dst(%dma_wait3A_70 : memref<128x128xf32, #tpu.memory_space<vmem>>)
      %dma_wait3A_76 = arith.constant 128 : i32
      %dma_wait3A_77 = arith.constant 0 : i32
      %dma_wait3A_78 = tpu.memref_slice %arg7[%dma_wait3A_76, %dma_wait3A_77] : memref<384x128xf32, #tpu.memory_space<vmem>> -> memref<128x128xf32, #tpu.memory_space<vmem>>
      %dma_wait3A_79 = arith.constant 128 : i32
      %dma_wait3A_80 = tpu.memref_slice %arg5[%dma_wait3A_79] : memref<384xi32, #tpu.memory_space<vmem>> -> memref<128xi32, #tpu.memory_space<vmem>>
      %dma_wait3A_81 = arith.constant 0 : i32
      %dma_wait3A_82 = arith.constant 0 : i32
      %dma_wait3A_83 = tpu.memref_slice %arg2[%dma_wait3A_81, %dma_wait3A_82] : memref<10000x128xf32, #tpu.memory_space<hbm>> -> memref<10000x128xf32, #tpu.memory_space<hbm>>
      tpu.wait_indirect_dma semaphore(%arg9 : memref<!tpu.dma_semaphore, #tpu.memory_space<semaphore_mem>>) src(%dma_wait3A_83 : memref<10000x128xf32, #tpu.memory_space<hbm>>) dst(%dma_wait3A_78 : memref<128x128xf32, #tpu.memory_space<vmem>>)
      %dma_wait3A_84 = arith.constant 256 : i32
      %dma_wait3A_85 = arith.constant 0 : i32
      %dma_wait3A_86 = tpu.memref_slice %arg7[%dma_wait3A_84, %dma_wait3A_85] : memref<384x128xf32, #tpu.memory_space<vmem>> -> memref<128x128xf32, #tpu.memory_space<vmem>>
      %dma_wait3A_87 = arith.constant 256 : i32
      %dma_wait3A_88 = tpu.memref_slice %arg5[%dma_wait3A_87] : memref<384xi32, #tpu.memory_space<vmem>> -> memref<128xi32, #tpu.memory_space<vmem>>
      %dma_wait3A_89 = arith.constant 0 : i32
      %dma_wait3A_90 = arith.constant 0 : i32
      %dma_wait3A_91 = tpu.memref_slice %arg2[%dma_wait3A_89, %dma_wait3A_90] : memref<10000x128xf32, #tpu.memory_space<hbm>> -> memref<10000x128xf32, #tpu.memory_space<hbm>>
      tpu.wait_indirect_dma semaphore(%arg9 : memref<!tpu.dma_semaphore, #tpu.memory_space<semaphore_mem>>) src(%dma_wait3A_91 : memref<10000x128xf32, #tpu.memory_space<hbm>>) dst(%dma_wait3A_86 : memref<128x128xf32, #tpu.memory_space<vmem>>)
      %dma_start3A_92 = arith.constant 0 : i32
      %dma_start3A_93 = tpu.memref_slice %arg4[%multiple_of3A_49, %dma_start3A_92] : memref<172032x128xf32, #tpu.memory_space<hbm>> -> memref<384x128xf32, #tpu.memory_space<hbm>>
      %dma_start3A_94 = arith.constant 0 : i32
      %dma_start3A_95 = tpu.memref_slice %arg4[%multiple_of3A_49, %dma_start3A_94] : memref<172032x128xf32, #tpu.memory_space<hbm>> -> memref<384x128xf32, #tpu.memory_space<hbm>>
      tpu.enqueue_dma source(%arg7 : memref<384x128xf32, #tpu.memory_space<vmem>>) target(%dma_start3A_95 : memref<384x128xf32, #tpu.memory_space<hbm>>) target_semaphore(%arg11 : memref<!tpu.dma_semaphore, #tpu.memory_space<semaphore_mem>>)
      %dma_start3A_96 = arith.constant 0 : i32
      %dma_start3A_97 = arith.constant 0 : i32
      %dma_start3A_98 = tpu.memref_slice %arg8[%dma_start3A_96, %dma_start3A_97] : memref<384x128xf32, #tpu.memory_space<vmem>> -> memref<128x128xf32, #tpu.memory_space<vmem>>
      %dma_start3A_99 = arith.constant 0 : i32
      %dma_start3A_100 = tpu.memref_slice %arg6[%dma_start3A_99] : memref<384xi32, #tpu.memory_space<vmem>> -> memref<128xi32, #tpu.memory_space<vmem>>
      %dma_start3A_101 = arith.constant 0 : i32
      %dma_start3A_102 = arith.constant 0 : i32
      %dma_start3A_103 = tpu.memref_slice %arg2[%dma_start3A_101, %dma_start3A_102] : memref<10000x128xf32, #tpu.memory_space<hbm>> -> memref<10000x128xf32, #tpu.memory_space<hbm>>
      tpu.enqueue_indirect_dma source(%dma_start3A_103 : memref<10000x128xf32, #tpu.memory_space<hbm>>) target(%dma_start3A_98 : memref<128x128xf32, #tpu.memory_space<vmem>>) offsets(%dma_start3A_100 : memref<128xi32, #tpu.memory_space<vmem>>) semaphore(%arg10 : memref<!tpu.dma_semaphore, #tpu.memory_space<semaphore_mem>>)
      %dma_start3A_104 = arith.constant 128 : i32
      %dma_start3A_105 = arith.constant 0 : i32
      %dma_start3A_106 = tpu.memref_slice %arg8[%dma_start3A_104, %dma_start3A_105] : memref<384x128xf32, #tpu.memory_space<vmem>> -> memref<128x128xf32, #tpu.memory_space<vmem>>
      %dma_start3A_107 = arith.constant 128 : i32
      %dma_start3A_108 = tpu.memref_slice %arg6[%dma_start3A_107] : memref<384xi32, #tpu.memory_space<vmem>> -> memref<128xi32, #tpu.memory_space<vmem>>
      %dma_start3A_109 = arith.constant 0 : i32
      %dma_start3A_110 = arith.constant 0 : i32
      %dma_start3A_111 = tpu.memref_slice %arg2[%dma_start3A_109, %dma_start3A_110] : memref<10000x128xf32, #tpu.memory_space<hbm>> -> memref<10000x128xf32, #tpu.memory_space<hbm>>
      tpu.enqueue_indirect_dma source(%dma_start3A_111 : memref<10000x128xf32, #tpu.memory_space<hbm>>) target(%dma_start3A_106 : memref<128x128xf32, #tpu.memory_space<vmem>>) offsets(%dma_start3A_108 : memref<128xi32, #tpu.memory_space<vmem>>) semaphore(%arg10 : memref<!tpu.dma_semaphore, #tpu.memory_space<semaphore_mem>>)
      %dma_start3A_112 = arith.constant 256 : i32
      %dma_start3A_113 = arith.constant 0 : i32
      %dma_start3A_114 = tpu.memref_slice %arg8[%dma_start3A_112, %dma_start3A_113] : memref<384x128xf32, #tpu.memory_space<vmem>> -> memref<128x128xf32, #tpu.memory_space<vmem>>
      %dma_start3A_115 = arith.constant 256 : i32
      %dma_start3A_116 = tpu.memref_slice %arg6[%dma_start3A_115] : memref<384xi32, #tpu.memory_space<vmem>> -> memref<128xi32, #tpu.memory_space<vmem>>
      %dma_start3A_117 = arith.constant 0 : i32
      %dma_start3A_118 = arith.constant 0 : i32
      %dma_start3A_119 = tpu.memref_slice %arg2[%dma_start3A_117, %dma_start3A_118] : memref<10000x128xf32, #tpu.memory_space<hbm>> -> memref<10000x128xf32, #tpu.memory_space<hbm>>
      tpu.enqueue_indirect_dma source(%dma_start3A_119 : memref<10000x128xf32, #tpu.memory_space<hbm>>) target(%dma_start3A_114 : memref<128x128xf32, #tpu.memory_space<vmem>>) offsets(%dma_start3A_116 : memref<128xi32, #tpu.memory_space<vmem>>) semaphore(%arg10 : memref<!tpu.dma_semaphore, #tpu.memory_space<semaphore_mem>>)
      %lt3A = arith.constant 6 : i32
      %lt3A_120 = arith.cmpi slt, %scan3A_43, %lt3A : i32
      %convert_element_type3A_121 = arith.extui %lt3A_120 : i1 to i32
      %cond3A_122 = arith.constant 0 : i32
      %cond3A_123 = arith.cmpi ne, %convert_element_type3A_121, %cond3A_122 : i32
      scf.if %cond3A_123 {
        "tpu.region"() ({
          %run_scoped3A = tpu.sem_alloc : memref<!tpu.dma_semaphore, #tpu.memory_space<semaphore_mem>>
          %dma_start3A_161 = tpu.memref_slice %arg3[%multiple_of3A_65] : memref<172032xi32, #tpu.memory_space<hbm>> -> memref<384xi32, #tpu.memory_space<hbm>>
          %dma_start3A_162 = tpu.memref_slice %arg3[%multiple_of3A_65] : memref<172032xi32, #tpu.memory_space<hbm>> -> memref<384xi32, #tpu.memory_space<hbm>>
          tpu.enqueue_dma source(%dma_start3A_162 : memref<384xi32, #tpu.memory_space<hbm>>) target(%arg5 : memref<384xi32, #tpu.memory_space<vmem>>) target_semaphore(%run_scoped3A : memref<!tpu.dma_semaphore, #tpu.memory_space<semaphore_mem>>)
          %dma_wait3A_163 = tpu.memref_slice %arg3[%multiple_of3A_65] : memref<172032xi32, #tpu.memory_space<hbm>> -> memref<384xi32, #tpu.memory_space<hbm>>
          %dma_wait3A_164 = tpu.memref_slice %arg3[%multiple_of3A_65] : memref<172032xi32, #tpu.memory_space<hbm>> -> memref<384xi32, #tpu.memory_space<hbm>>
          tpu.wait_dma2 semaphore(%run_scoped3A : memref<!tpu.dma_semaphore, #tpu.memory_space<semaphore_mem>>) src(%dma_wait3A_164 : memref<384xi32, #tpu.memory_space<hbm>>) dst(%arg5 : memref<384xi32, #tpu.memory_space<vmem>>)
          tpu.yield
        }) : () -> ()
        %dma_wait3A_157 = arith.constant 0 : i32
        %dma_wait3A_158 = tpu.memref_slice %arg4[%multiple_of3A_49, %dma_wait3A_157] : memref<172032x128xf32, #tpu.memory_space<hbm>> -> memref<384x128xf32, #tpu.memory_space<hbm>>
        %dma_wait3A_159 = arith.constant 0 : i32
        %dma_wait3A_160 = tpu.memref_slice %arg4[%multiple_of3A_49, %dma_wait3A_159] : memref<172032x128xf32, #tpu.memory_space<hbm>> -> memref<384x128xf32, #tpu.memory_space<hbm>>
        tpu.wait_dma2 semaphore(%arg11 : memref<!tpu.dma_semaphore, #tpu.memory_space<semaphore_mem>>) src(%arg7 : memref<384x128xf32, #tpu.memory_space<vmem>>) dst(%dma_wait3A_160 : memref<384x128xf32, #tpu.memory_space<hbm>>)
      } else {
      }
      %dma_wait3A_124 = arith.constant 0 : i32
      %dma_wait3A_125 = arith.constant 0 : i32
      %dma_wait3A_126 = tpu.memref_slice %arg8[%dma_wait3A_124, %dma_wait3A_125] : memref<384x128xf32, #tpu.memory_space<vmem>> -> memref<128x128xf32, #tpu.memory_space<vmem>>
      %dma_wait3A_127 = arith.constant 0 : i32
      %dma_wait3A_128 = tpu.memref_slice %arg6[%dma_wait3A_127] : memref<384xi32, #tpu.memory_space<vmem>> -> memref<128xi32, #tpu.memory_space<vmem>>
      %dma_wait3A_129 = arith.constant 0 : i32
      %dma_wait3A_130 = arith.constant 0 : i32
      %dma_wait3A_131 = tpu.memref_slice %arg2[%dma_wait3A_129, %dma_wait3A_130] : memref<10000x128xf32, #tpu.memory_space<hbm>> -> memref<10000x128xf32, #tpu.memory_space<hbm>>
      tpu.wait_indirect_dma semaphore(%arg10 : memref<!tpu.dma_semaphore, #tpu.memory_space<semaphore_mem>>) src(%dma_wait3A_131 : memref<10000x128xf32, #tpu.memory_space<hbm>>) dst(%dma_wait3A_126 : memref<128x128xf32, #tpu.memory_space<vmem>>)
      %dma_wait3A_132 = arith.constant 128 : i32
      %dma_wait3A_133 = arith.constant 0 : i32
      %dma_wait3A_134 = tpu.memref_slice %arg8[%dma_wait3A_132, %dma_wait3A_133] : memref<384x128xf32, #tpu.memory_space<vmem>> -> memref<128x128xf32, #tpu.memory_space<vmem>>
      %dma_wait3A_135 = arith.constant 128 : i32
      %dma_wait3A_136 = tpu.memref_slice %arg6[%dma_wait3A_135] : memref<384xi32, #tpu.memory_space<vmem>> -> memref<128xi32, #tpu.memory_space<vmem>>
      %dma_wait3A_137 = arith.constant 0 : i32
      %dma_wait3A_138 = arith.constant 0 : i32
      %dma_wait3A_139 = tpu.memref_slice %arg2[%dma_wait3A_137, %dma_wait3A_138] : memref<10000x128xf32, #tpu.memory_space<hbm>> -> memref<10000x128xf32, #tpu.memory_space<hbm>>
      tpu.wait_indirect_dma semaphore(%arg10 : memref<!tpu.dma_semaphore, #tpu.memory_space<semaphore_mem>>) src(%dma_wait3A_139 : memref<10000x128xf32, #tpu.memory_space<hbm>>) dst(%dma_wait3A_134 : memref<128x128xf32, #tpu.memory_space<vmem>>)
      %dma_wait3A_140 = arith.constant 256 : i32
      %dma_wait3A_141 = arith.constant 0 : i32
      %dma_wait3A_142 = tpu.memref_slice %arg8[%dma_wait3A_140, %dma_wait3A_141] : memref<384x128xf32, #tpu.memory_space<vmem>> -> memref<128x128xf32, #tpu.memory_space<vmem>>
      %dma_wait3A_143 = arith.constant 256 : i32
      %dma_wait3A_144 = tpu.memref_slice %arg6[%dma_wait3A_143] : memref<384xi32, #tpu.memory_space<vmem>> -> memref<128xi32, #tpu.memory_space<vmem>>
      %dma_wait3A_145 = arith.constant 0 : i32
      %dma_wait3A_146 = arith.constant 0 : i32
      %dma_wait3A_147 = tpu.memref_slice %arg2[%dma_wait3A_145, %dma_wait3A_146] : memref<10000x128xf32, #tpu.memory_space<hbm>> -> memref<10000x128xf32, #tpu.memory_space<hbm>>
      tpu.wait_indirect_dma semaphore(%arg10 : memref<!tpu.dma_semaphore, #tpu.memory_space<semaphore_mem>>) src(%dma_wait3A_147 : memref<10000x128xf32, #tpu.memory_space<hbm>>) dst(%dma_wait3A_142 : memref<128x128xf32, #tpu.memory_space<vmem>>)
      %dma_start3A_148 = arith.constant 0 : i32
      %dma_start3A_149 = tpu.memref_slice %arg4[%multiple_of3A_57, %dma_start3A_148] : memref<172032x128xf32, #tpu.memory_space<hbm>> -> memref<384x128xf32, #tpu.memory_space<hbm>>
      %dma_start3A_150 = arith.constant 0 : i32
      %dma_start3A_151 = tpu.memref_slice %arg4[%multiple_of3A_57, %dma_start3A_150] : memref<172032x128xf32, #tpu.memory_space<hbm>> -> memref<384x128xf32, #tpu.memory_space<hbm>>
      tpu.enqueue_dma source(%arg8 : memref<384x128xf32, #tpu.memory_space<vmem>>) target(%dma_start3A_151 : memref<384x128xf32, #tpu.memory_space<hbm>>) target_semaphore(%arg12 : memref<!tpu.dma_semaphore, #tpu.memory_space<semaphore_mem>>)
      %lt3A_152 = arith.constant 6 : i32
      %lt3A_153 = arith.cmpi slt, %scan3A_43, %lt3A_152 : i32
      %convert_element_type3A_154 = arith.extui %lt3A_153 : i1 to i32
      %cond3A_155 = arith.constant 0 : i32
      %cond3A_156 = arith.cmpi ne, %convert_element_type3A_154, %cond3A_155 : i32
      scf.if %cond3A_156 {
        %dma_start3A_157 = arith.constant 0 : i32
        %dma_start3A_158 = arith.constant 0 : i32
        %dma_start3A_159 = tpu.memref_slice %arg7[%dma_start3A_157, %dma_start3A_158] : memref<384x128xf32, #tpu.memory_space<vmem>> -> memref<128x128xf32, #tpu.memory_space<vmem>>
        %dma_start3A_160 = arith.constant 0 : i32
        %dma_start3A_161 = tpu.memref_slice %arg5[%dma_start3A_160] : memref<384xi32, #tpu.memory_space<vmem>> -> memref<128xi32, #tpu.memory_space<vmem>>
        %dma_start3A_162 = arith.constant 0 : i32
        %dma_start3A_163 = arith.constant 0 : i32
        %dma_start3A_164 = tpu.memref_slice %arg2[%dma_start3A_162, %dma_start3A_163] : memref<10000x128xf32, #tpu.memory_space<hbm>> -> memref<10000x128xf32, #tpu.memory_space<hbm>>
        tpu.enqueue_indirect_dma source(%dma_start3A_164 : memref<10000x128xf32, #tpu.memory_space<hbm>>) target(%dma_start3A_159 : memref<128x128xf32, #tpu.memory_space<vmem>>) offsets(%dma_start3A_161 : memref<128xi32, #tpu.memory_space<vmem>>) semaphore(%arg9 : memref<!tpu.dma_semaphore, #tpu.memory_space<semaphore_mem>>)
        %dma_start3A_165 = arith.constant 128 : i32
        %dma_start3A_166 = arith.constant 0 : i32
        %dma_start3A_167 = tpu.memref_slice %arg7[%dma_start3A_165, %dma_start3A_166] : memref<384x128xf32, #tpu.memory_space<vmem>> -> memref<128x128xf32, #tpu.memory_space<vmem>>
        %dma_start3A_168 = arith.constant 128 : i32
        %dma_start3A_169 = tpu.memref_slice %arg5[%dma_start3A_168] : memref<384xi32, #tpu.memory_space<vmem>> -> memref<128xi32, #tpu.memory_space<vmem>>
        %dma_start3A_170 = arith.constant 0 : i32
        %dma_start3A_171 = arith.constant 0 : i32
        %dma_start3A_172 = tpu.memref_slice %arg2[%dma_start3A_170, %dma_start3A_171] : memref<10000x128xf32, #tpu.memory_space<hbm>> -> memref<10000x128xf32, #tpu.memory_space<hbm>>
        tpu.enqueue_indirect_dma source(%dma_start3A_172 : memref<10000x128xf32, #tpu.memory_space<hbm>>) target(%dma_start3A_167 : memref<128x128xf32, #tpu.memory_space<vmem>>) offsets(%dma_start3A_169 : memref<128xi32, #tpu.memory_space<vmem>>) semaphore(%arg9 : memref<!tpu.dma_semaphore, #tpu.memory_space<semaphore_mem>>)
        %dma_start3A_173 = arith.constant 256 : i32
        %dma_start3A_174 = arith.constant 0 : i32
        %dma_start3A_175 = tpu.memref_slice %arg7[%dma_start3A_173, %dma_start3A_174] : memref<384x128xf32, #tpu.memory_space<vmem>> -> memref<128x128xf32, #tpu.memory_space<vmem>>
        %dma_start3A_176 = arith.constant 256 : i32
        %dma_start3A_177 = tpu.memref_slice %arg5[%dma_start3A_176] : memref<384xi32, #tpu.memory_space<vmem>> -> memref<128xi32, #tpu.memory_space<vmem>>
        %dma_start3A_178 = arith.constant 0 : i32
        %dma_start3A_179 = arith.constant 0 : i32
        %dma_start3A_180 = tpu.memref_slice %arg2[%dma_start3A_178, %dma_start3A_179] : memref<10000x128xf32, #tpu.memory_space<hbm>> -> memref<10000x128xf32, #tpu.memory_space<hbm>>
        tpu.enqueue_indirect_dma source(%dma_start3A_180 : memref<10000x128xf32, #tpu.memory_space<hbm>>) target(%dma_start3A_175 : memref<128x128xf32, #tpu.memory_space<vmem>>) offsets(%dma_start3A_177 : memref<128xi32, #tpu.memory_space<vmem>>) semaphore(%arg9 : memref<!tpu.dma_semaphore, #tpu.memory_space<semaphore_mem>>)
      } else {
      }
    }
    %scan3A_30 = arith.constant 7 : i32
    %add3A_31 = arith.constant 4608 : i32
    %add3A_32 = arith.addi %mul3A_2, %add3A_31 : i32
    %multiple_of3A = tpu.assume_multiple %add3A_32, 384 : i32
    %add3A_33 = arith.constant 4992 : i32
    %add3A_34 = arith.addi %mul3A_2, %add3A_33 : i32
    %multiple_of3A_35 = tpu.assume_multiple %add3A_34, 384 : i32
    %dma_wait3A = arith.constant 0 : i32
    %dma_wait3A_36 = tpu.memref_slice %arg4[%multiple_of3A, %dma_wait3A] : memref<172032x128xf32, #tpu.memory_space<hbm>> -> memref<384x128xf32, #tpu.memory_space<hbm>>
    %dma_wait3A_37 = arith.constant 0 : i32
    %dma_wait3A_38 = tpu.memref_slice %arg4[%multiple_of3A, %dma_wait3A_37] : memref<172032x128xf32, #tpu.memory_space<hbm>> -> memref<384x128xf32, #tpu.memory_space<hbm>>
    tpu.wait_dma2 semaphore(%arg11 : memref<!tpu.dma_semaphore, #tpu.memory_space<semaphore_mem>>) src(%arg7 : memref<384x128xf32, #tpu.memory_space<vmem>>) dst(%dma_wait3A_38 : memref<384x128xf32, #tpu.memory_space<hbm>>)
    %dma_wait3A_39 = arith.constant 0 : i32
    %dma_wait3A_40 = tpu.memref_slice %arg4[%multiple_of3A_35, %dma_wait3A_39] : memref<172032x128xf32, #tpu.memory_space<hbm>> -> memref<384x128xf32, #tpu.memory_space<hbm>>
    %dma_wait3A_41 = arith.constant 0 : i32
    %dma_wait3A_42 = tpu.memref_slice %arg4[%multiple_of3A_35, %dma_wait3A_41] : memref<172032x128xf32, #tpu.memory_space<hbm>> -> memref<384x128xf32, #tpu.memory_space<hbm>>
    tpu.wait_dma2 semaphore(%arg12 : memref<!tpu.dma_semaphore, #tpu.memory_space<semaphore_mem>>) src(%arg8 : memref<384x128xf32, #tpu.memory_space<vmem>>) dst(%dma_wait3A_42 : memref<384x128xf32, #tpu.memory_space<hbm>>)
    return
  }
}

#map = affine_map<(d0, d1) -> (0, 0)>
#map1 = affine_map<(d0, d1) -> (0)>
module attributes {stable_mosaic.version = 14 : i64} {
  func.func @gk(%arg0: i32, %arg1: i32, %arg2: memref<10000x128xf32, #tpu.memory_space<hbm>>, %arg3: memref<172032xi32, #tpu.memory_space<hbm>>, %arg4: memref<172032x128xf32, #tpu.memory_space<hbm>>, %arg5: memref<384xi32, #tpu.memory_space<vmem>>, %arg6: memref<384xi32, #tpu.memory_space<vmem>>, %arg7: memref<384x128xf32, #tpu.memory_space<vmem>>, %arg8: memref<384x128xf32, #tpu.memory_space<vmem>>, %arg9: memref<!tpu.dma_semaphore, #tpu.memory_space<semaphore_mem>>, %arg10: memref<!tpu.dma_semaphore, #tpu.memory_space<semaphore_mem>>, %arg11: memref<!tpu.dma_semaphore, #tpu.memory_space<semaphore_mem>>, %arg12: memref<!tpu.dma_semaphore, #tpu.memory_space<semaphore_mem>>) attributes {dimension_semantics = [#tpu.dimension_semantics<core_parallel>, #tpu.dimension_semantics<subcore_parallel>], iteration_bounds = array<i64: 2, 16>, scalar_prefetch = 0 : i64, scratch_operands = 8 : i64, tpu.core_type = #tpu.core_type<sc_vector_subcore>, window_params = [{transform_indices = #map}, {transform_indices = #map1}, {transform_indices = #map}]} {
    %mul3A = arith.constant 2 : i32
    %mul3A_0 = arith.muli %arg1, %mul3A : i32
    %add3A = arith.addi %mul3A_0, %arg0 : i32
    %mul3A_1 = arith.constant 5376 : i32
    %mul3A_2 = arith.muli %add3A, %mul3A_1 : i32
    "tpu.region"() ({
      %run_scoped3A = tpu.sem_alloc : memref<!tpu.dma_semaphore, #tpu.memory_space<semaphore_mem>>
      %dma_start3A_43 = tpu.memref_slice %arg3[%mul3A_2] : memref<172032xi32, #tpu.memory_space<hbm>> -> memref<384xi32, #tpu.memory_space<hbm>>
      %dma_start3A_44 = tpu.memref_slice %arg3[%mul3A_2] : memref<172032xi32, #tpu.memory_space<hbm>> -> memref<384xi32, #tpu.memory_space<hbm>>
      tpu.enqueue_dma source(%dma_start3A_44 : memref<384xi32, #tpu.memory_space<hbm>>) target(%arg5 : memref<384xi32, #tpu.memory_space<vmem>>) target_semaphore(%run_scoped3A : memref<!tpu.dma_semaphore, #tpu.memory_space<semaphore_mem>>)
      %dma_wait3A_45 = tpu.memref_slice %arg3[%mul3A_2] : memref<172032xi32, #tpu.memory_space<hbm>> -> memref<384xi32, #tpu.memory_space<hbm>>
      %dma_wait3A_46 = tpu.memref_slice %arg3[%mul3A_2] : memref<172032xi32, #tpu.memory_space<hbm>> -> memref<384xi32, #tpu.memory_space<hbm>>
      tpu.wait_dma2 semaphore(%run_scoped3A : memref<!tpu.dma_semaphore, #tpu.memory_space<semaphore_mem>>) src(%dma_wait3A_46 : memref<384xi32, #tpu.memory_space<hbm>>) dst(%arg5 : memref<384xi32, #tpu.memory_space<vmem>>)
      tpu.yield
    }) : () -> ()
    %dma_start3A = arith.constant 0 : i32
    %dma_start3A_3 = arith.constant 0 : i32
    %dma_start3A_4 = tpu.memref_slice %arg7[%dma_start3A, %dma_start3A_3] : memref<384x128xf32, #tpu.memory_space<vmem>> -> memref<128x128xf32, #tpu.memory_space<vmem>>
    %dma_start3A_5 = arith.constant 0 : i32
    %dma_start3A_6 = tpu.memref_slice %arg5[%dma_start3A_5] : memref<384xi32, #tpu.memory_space<vmem>> -> memref<128xi32, #tpu.memory_space<vmem>>
    %dma_start3A_7 = arith.constant 0 : i32
    %dma_start3A_8 = arith.constant 0 : i32
    %dma_start3A_9 = tpu.memref_slice %arg2[%dma_start3A_7, %dma_start3A_8] : memref<10000x128xf32, #tpu.memory_space<hbm>> -> memref<10000x128xf32, #tpu.memory_space<hbm>>
    tpu.enqueue_indirect_dma source(%dma_start3A_9 : memref<10000x128xf32, #tpu.memory_space<hbm>>) target(%dma_start3A_4 : memref<128x128xf32, #tpu.memory_space<vmem>>) offsets(%dma_start3A_6 : memref<128xi32, #tpu.memory_space<vmem>>) semaphore(%arg9 : memref<!tpu.dma_semaphore, #tpu.memory_space<semaphore_mem>>)
    %dma_start3A_10 = arith.constant 128 : i32
    %dma_start3A_11 = arith.constant 0 : i32
    %dma_start3A_12 = tpu.memref_slice %arg7[%dma_start3A_10, %dma_start3A_11] : memref<384x128xf32, #tpu.memory_space<vmem>> -> memref<128x128xf32, #tpu.memory_space<vmem>>
    %dma_start3A_13 = arith.constant 128 : i32
    %dma_start3A_14 = tpu.memref_slice %arg5[%dma_start3A_13] : memref<384xi32, #tpu.memory_space<vmem>> -> memref<128xi32, #tpu.memory_space<vmem>>
    %dma_start3A_15 = arith.constant 0 : i32
    %dma_start3A_16 = arith.constant 0 : i32
    %dma_start3A_17 = tpu.memref_slice %arg2[%dma_start3A_15, %dma_start3A_16] : memref<10000x128xf32, #tpu.memory_space<hbm>> -> memref<10000x128xf32, #tpu.memory_space<hbm>>
    tpu.enqueue_indirect_dma source(%dma_start3A_17 : memref<10000x128xf32, #tpu.memory_space<hbm>>) target(%dma_start3A_12 : memref<128x128xf32, #tpu.memory_space<vmem>>) offsets(%dma_start3A_14 : memref<128xi32, #tpu.memory_space<vmem>>) semaphore(%arg9 : memref<!tpu.dma_semaphore, #tpu.memory_space<semaphore_mem>>)
    %dma_start3A_18 = arith.constant 256 : i32
    %dma_start3A_19 = arith.constant 0 : i32
    %dma_start3A_20 = tpu.memref_slice %arg7[%dma_start3A_18, %dma_start3A_19] : memref<384x128xf32, #tpu.memory_space<vmem>> -> memref<128x128xf32, #tpu.memory_space<vmem>>
    %dma_start3A_21 = arith.constant 256 : i32
    %dma_start3A_22 = tpu.memref_slice %arg5[%dma_start3A_21] : memref<384xi32, #tpu.memory_space<vmem>> -> memref<128xi32, #tpu.memory_space<vmem>>
    %dma_start3A_23 = arith.constant 0 : i32
    %dma_start3A_24 = arith.constant 0 : i32
    %dma_start3A_25 = tpu.memref_slice %arg2[%dma_start3A_23, %dma_start3A_24] : memref<10000x128xf32, #tpu.memory_space<hbm>> -> memref<10000x128xf32, #tpu.memory_space<hbm>>
    tpu.enqueue_indirect_dma source(%dma_start3A_25 : memref<10000x128xf32, #tpu.memory_space<hbm>>) target(%dma_start3A_20 : memref<128x128xf32, #tpu.memory_space<vmem>>) offsets(%dma_start3A_22 : memref<128xi32, #tpu.memory_space<vmem>>) semaphore(%arg9 : memref<!tpu.dma_semaphore, #tpu.memory_space<semaphore_mem>>)
    %scan3A = arith.constant 0 : i32
    %scan3A_26 = arith.constant 0 : i32
    %scan3A_27 = arith.constant 7 : i32
    %scan3A_28 = arith.addi %scan3A_26, %scan3A_27 : i32
    %scan3A_29 = arith.constant 1 : i32
    scf.for %scan3A_43 = %scan3A_26 to %scan3A_28 step %scan3A_29  : i32 {
      %mul3A_44 = arith.constant 2 : i32
      %mul3A_45 = arith.muli %mul3A_44, %scan3A_43 : i32
      %mul3A_46 = arith.constant 384 : i32
      %mul3A_47 = arith.muli %mul3A_45, %mul3A_46 : i32
      %add3A_48 = arith.addi %mul3A_2, %mul3A_47 : i32
      %multiple_of3A_49 = tpu.assume_multiple %add3A_48, 384 : i32
      %mul3A_50 = arith.constant 2 : i32
      %mul3A_51 = arith.muli %mul3A_50, %scan3A_43 : i32
      %add3A_52 = arith.constant 1 : i32
      %add3A_53 = arith.addi %mul3A_51, %add3A_52 : i32
      %mul3A_54 = arith.constant 384 : i32
      %mul3A_55 = arith.muli %add3A_53, %mul3A_54 : i32
      %add3A_56 = arith.addi %mul3A_2, %mul3A_55 : i32
      %multiple_of3A_57 = tpu.assume_multiple %add3A_56, 384 : i32
      %mul3A_58 = arith.constant 2 : i32
      %mul3A_59 = arith.muli %mul3A_58, %scan3A_43 : i32
      %add3A_60 = arith.constant 2 : i32
      %add3A_61 = arith.addi %mul3A_59, %add3A_60 : i32
      %mul3A_62 = arith.constant 384 : i32
      %mul3A_63 = arith.muli %add3A_61, %mul3A_62 : i32
      %add3A_64 = arith.addi %mul3A_2, %mul3A_63 : i32
      %multiple_of3A_65 = tpu.assume_multiple %add3A_64, 384 : i32
      "tpu.region"() ({
        %run_scoped3A = tpu.sem_alloc : memref<!tpu.dma_semaphore, #tpu.memory_space<semaphore_mem>>
        %dma_start3A_157 = tpu.memref_slice %arg3[%multiple_of3A_57] : memref<172032xi32, #tpu.memory_space<hbm>> -> memref<384xi32, #tpu.memory_space<hbm>>
        %dma_start3A_158 = tpu.memref_slice %arg3[%multiple_of3A_57] : memref<172032xi32, #tpu.memory_space<hbm>> -> memref<384xi32, #tpu.memory_space<hbm>>
        tpu.enqueue_dma source(%dma_start3A_158 : memref<384xi32, #tpu.memory_space<hbm>>) target(%arg6 : memref<384xi32, #tpu.memory_space<vmem>>) target_semaphore(%run_scoped3A : memref<!tpu.dma_semaphore, #tpu.memory_space<semaphore_mem>>)
        %dma_wait3A_159 = tpu.memref_slice %arg3[%multiple_of3A_57] : memref<172032xi32, #tpu.memory_space<hbm>> -> memref<384xi32, #tpu.memory_space<hbm>>
        %dma_wait3A_160 = tpu.memref_slice %arg3[%multiple_of3A_57] : memref<172032xi32, #tpu.memory_space<hbm>> -> memref<384xi32, #tpu.memory_space<hbm>>
        tpu.wait_dma2 semaphore(%run_scoped3A : memref<!tpu.dma_semaphore, #tpu.memory_space<semaphore_mem>>) src(%dma_wait3A_160 : memref<384xi32, #tpu.memory_space<hbm>>) dst(%arg6 : memref<384xi32, #tpu.memory_space<vmem>>)
        tpu.yield
      }) : () -> ()
      %gt3A = arith.constant 0 : i32
      %gt3A_66 = arith.cmpi sgt, %scan3A_43, %gt3A : i32
      %convert_element_type3A = arith.extui %gt3A_66 : i1 to i32
      %cond3A = arith.constant 0 : i32
      %cond3A_67 = arith.cmpi ne, %convert_element_type3A, %cond3A : i32
      scf.if %cond3A_67 {
        %sub3A = arith.constant 768 : i32
        %sub3A_157 = arith.subi %multiple_of3A_57, %sub3A : i32
        %dma_wait3A_158 = arith.constant 0 : i32
        %dma_wait3A_159 = tpu.memref_slice %arg4[%sub3A_157, %dma_wait3A_158] : memref<172032x128xf32, #tpu.memory_space<hbm>> -> memref<384x128xf32, #tpu.memory_space<hbm>>
        %dma_wait3A_160 = arith.constant 0 : i32
        %dma_wait3A_161 = tpu.memref_slice %arg4[%sub3A_157, %dma_wait3A_160] : memref<172032x128xf32, #tpu.memory_space<hbm>> -> memref<384x128xf32, #tpu.memory_space<hbm>>
        tpu.wait_dma2 semaphore(%arg12 : memref<!tpu.dma_semaphore, #tpu.memory_space<semaphore_mem>>) src(%arg8 : memref<384x128xf32, #tpu.memory_space<vmem>>) dst(%dma_wait3A_161 : memref<384x128xf32, #tpu.memory_space<hbm>>)
      } else {
      }
      %dma_wait3A_68 = arith.constant 0 : i32
      %dma_wait3A_69 = arith.constant 0 : i32
      %dma_wait3A_70 = tpu.memref_slice %arg7[%dma_wait3A_68, %dma_wait3A_69] : memref<384x128xf32, #tpu.memory_space<vmem>> -> memref<128x128xf32, #tpu.memory_space<vmem>>
      %dma_wait3A_71 = arith.constant 0 : i32
      %dma_wait3A_72 = tpu.memref_slice %arg5[%dma_wait3A_71] : memref<384xi32, #tpu.memory_space<vmem>> -> memref<128xi32, #tpu.memory_space<vmem>>
      %dma_wait3A_73 = arith.constant 0 : i32
      %dma_wait3A_74 = arith.constant 0 : i32
      %dma_wait3A_75 = tpu.memref_slice %arg2[%dma_wait3A_73, %dma_wait3A_74] : memref<10000x128xf32, #tpu.memory_space<hbm>> -> memref<10000x128xf32, #tpu.memory_space<hbm>>
      tpu.wait_indirect_dma semaphore(%arg9 : memref<!tpu.dma_semaphore, #tpu.memory_space<semaphore_mem>>) src(%dma_wait3A_75 : memref<10000x128xf32, #tpu.memory_space<hbm>>) dst(%dma_wait3A_70 : memref<128x128xf32, #tpu.memory_space<vmem>>)
      %dma_wait3A_76 = arith.constant 128 : i32
      %dma_wait3A_77 = arith.constant 0 : i32
      %dma_wait3A_78 = tpu.memref_slice %arg7[%dma_wait3A_76, %dma_wait3A_77] : memref<384x128xf32, #tpu.memory_space<vmem>> -> memref<128x128xf32, #tpu.memory_space<vmem>>
      %dma_wait3A_79 = arith.constant 128 : i32
      %dma_wait3A_80 = tpu.memref_slice %arg5[%dma_wait3A_79] : memref<384xi32, #tpu.memory_space<vmem>> -> memref<128xi32, #tpu.memory_space<vmem>>
      %dma_wait3A_81 = arith.constant 0 : i32
      %dma_wait3A_82 = arith.constant 0 : i32
      %dma_wait3A_83 = tpu.memref_slice %arg2[%dma_wait3A_81, %dma_wait3A_82] : memref<10000x128xf32, #tpu.memory_space<hbm>> -> memref<10000x128xf32, #tpu.memory_space<hbm>>
      tpu.wait_indirect_dma semaphore(%arg9 : memref<!tpu.dma_semaphore, #tpu.memory_space<semaphore_mem>>) src(%dma_wait3A_83 : memref<10000x128xf32, #tpu.memory_space<hbm>>) dst(%dma_wait3A_78 : memref<128x128xf32, #tpu.memory_space<vmem>>)
      %dma_wait3A_84 = arith.constant 256 : i32
      %dma_wait3A_85 = arith.constant 0 : i32
      %dma_wait3A_86 = tpu.memref_slice %arg7[%dma_wait3A_84, %dma_wait3A_85] : memref<384x128xf32, #tpu.memory_space<vmem>> -> memref<128x128xf32, #tpu.memory_space<vmem>>
      %dma_wait3A_87 = arith.constant 256 : i32
      %dma_wait3A_88 = tpu.memref_slice %arg5[%dma_wait3A_87] : memref<384xi32, #tpu.memory_space<vmem>> -> memref<128xi32, #tpu.memory_space<vmem>>
      %dma_wait3A_89 = arith.constant 0 : i32
      %dma_wait3A_90 = arith.constant 0 : i32
      %dma_wait3A_91 = tpu.memref_slice %arg2[%dma_wait3A_89, %dma_wait3A_90] : memref<10000x128xf32, #tpu.memory_space<hbm>> -> memref<10000x128xf32, #tpu.memory_space<hbm>>
      tpu.wait_indirect_dma semaphore(%arg9 : memref<!tpu.dma_semaphore, #tpu.memory_space<semaphore_mem>>) src(%dma_wait3A_91 : memref<10000x128xf32, #tpu.memory_space<hbm>>) dst(%dma_wait3A_86 : memref<128x128xf32, #tpu.memory_space<vmem>>)
      %dma_start3A_92 = arith.constant 0 : i32
      %dma_start3A_93 = tpu.memref_slice %arg4[%multiple_of3A_49, %dma_start3A_92] : memref<172032x128xf32, #tpu.memory_space<hbm>> -> memref<384x128xf32, #tpu.memory_space<hbm>>
      %dma_start3A_94 = arith.constant 0 : i32
      %dma_start3A_95 = tpu.memref_slice %arg4[%multiple_of3A_49, %dma_start3A_94] : memref<172032x128xf32, #tpu.memory_space<hbm>> -> memref<384x128xf32, #tpu.memory_space<hbm>>
      tpu.enqueue_dma source(%arg7 : memref<384x128xf32, #tpu.memory_space<vmem>>) target(%dma_start3A_95 : memref<384x128xf32, #tpu.memory_space<hbm>>) target_semaphore(%arg11 : memref<!tpu.dma_semaphore, #tpu.memory_space<semaphore_mem>>)
      %dma_start3A_96 = arith.constant 0 : i32
      %dma_start3A_97 = arith.constant 0 : i32
      %dma_start3A_98 = tpu.memref_slice %arg8[%dma_start3A_96, %dma_start3A_97] : memref<384x128xf32, #tpu.memory_space<vmem>> -> memref<128x128xf32, #tpu.memory_space<vmem>>
      %dma_start3A_99 = arith.constant 0 : i32
      %dma_start3A_100 = tpu.memref_slice %arg6[%dma_start3A_99] : memref<384xi32, #tpu.memory_space<vmem>> -> memref<128xi32, #tpu.memory_space<vmem>>
      %dma_start3A_101 = arith.constant 0 : i32
      %dma_start3A_102 = arith.constant 0 : i32
      %dma_start3A_103 = tpu.memref_slice %arg2[%dma_start3A_101, %dma_start3A_102] : memref<10000x128xf32, #tpu.memory_space<hbm>> -> memref<10000x128xf32, #tpu.memory_space<hbm>>
      tpu.enqueue_indirect_dma source(%dma_start3A_103 : memref<10000x128xf32, #tpu.memory_space<hbm>>) target(%dma_start3A_98 : memref<128x128xf32, #tpu.memory_space<vmem>>) offsets(%dma_start3A_100 : memref<128xi32, #tpu.memory_space<vmem>>) semaphore(%arg10 : memref<!tpu.dma_semaphore, #tpu.memory_space<semaphore_mem>>)
      %dma_start3A_104 = arith.constant 128 : i32
      %dma_start3A_105 = arith.constant 0 : i32
      %dma_start3A_106 = tpu.memref_slice %arg8[%dma_start3A_104, %dma_start3A_105] : memref<384x128xf32, #tpu.memory_space<vmem>> -> memref<128x128xf32, #tpu.memory_space<vmem>>
      %dma_start3A_107 = arith.constant 128 : i32
      %dma_start3A_108 = tpu.memref_slice %arg6[%dma_start3A_107] : memref<384xi32, #tpu.memory_space<vmem>> -> memref<128xi32, #tpu.memory_space<vmem>>
      %dma_start3A_109 = arith.constant 0 : i32
      %dma_start3A_110 = arith.constant 0 : i32
      %dma_start3A_111 = tpu.memref_slice %arg2[%dma_start3A_109, %dma_start3A_110] : memref<10000x128xf32, #tpu.memory_space<hbm>> -> memref<10000x128xf32, #tpu.memory_space<hbm>>
      tpu.enqueue_indirect_dma source(%dma_start3A_111 : memref<10000x128xf32, #tpu.memory_space<hbm>>) target(%dma_start3A_106 : memref<128x128xf32, #tpu.memory_space<vmem>>) offsets(%dma_start3A_108 : memref<128xi32, #tpu.memory_space<vmem>>) semaphore(%arg10 : memref<!tpu.dma_semaphore, #tpu.memory_space<semaphore_mem>>)
      %dma_start3A_112 = arith.constant 256 : i32
      %dma_start3A_113 = arith.constant 0 : i32
      %dma_start3A_114 = tpu.memref_slice %arg8[%dma_start3A_112, %dma_start3A_113] : memref<384x128xf32, #tpu.memory_space<vmem>> -> memref<128x128xf32, #tpu.memory_space<vmem>>
      %dma_start3A_115 = arith.constant 256 : i32
      %dma_start3A_116 = tpu.memref_slice %arg6[%dma_start3A_115] : memref<384xi32, #tpu.memory_space<vmem>> -> memref<128xi32, #tpu.memory_space<vmem>>
      %dma_start3A_117 = arith.constant 0 : i32
      %dma_start3A_118 = arith.constant 0 : i32
      %dma_start3A_119 = tpu.memref_slice %arg2[%dma_start3A_117, %dma_start3A_118] : memref<10000x128xf32, #tpu.memory_space<hbm>> -> memref<10000x128xf32, #tpu.memory_space<hbm>>
      tpu.enqueue_indirect_dma source(%dma_start3A_119 : memref<10000x128xf32, #tpu.memory_space<hbm>>) target(%dma_start3A_114 : memref<128x128xf32, #tpu.memory_space<vmem>>) offsets(%dma_start3A_116 : memref<128xi32, #tpu.memory_space<vmem>>) semaphore(%arg10 : memref<!tpu.dma_semaphore, #tpu.memory_space<semaphore_mem>>)
      %lt3A = arith.constant 6 : i32
      %lt3A_120 = arith.cmpi slt, %scan3A_43, %lt3A : i32
      %convert_element_type3A_121 = arith.extui %lt3A_120 : i1 to i32
      %cond3A_122 = arith.constant 0 : i32
      %cond3A_123 = arith.cmpi ne, %convert_element_type3A_121, %cond3A_122 : i32
      scf.if %cond3A_123 {
        "tpu.region"() ({
          %run_scoped3A = tpu.sem_alloc : memref<!tpu.dma_semaphore, #tpu.memory_space<semaphore_mem>>
          %dma_start3A_161 = tpu.memref_slice %arg3[%multiple_of3A_65] : memref<172032xi32, #tpu.memory_space<hbm>> -> memref<384xi32, #tpu.memory_space<hbm>>
          %dma_start3A_162 = tpu.memref_slice %arg3[%multiple_of3A_65] : memref<172032xi32, #tpu.memory_space<hbm>> -> memref<384xi32, #tpu.memory_space<hbm>>
          tpu.enqueue_dma source(%dma_start3A_162 : memref<384xi32, #tpu.memory_space<hbm>>) target(%arg5 : memref<384xi32, #tpu.memory_space<vmem>>) target_semaphore(%run_scoped3A : memref<!tpu.dma_semaphore, #tpu.memory_space<semaphore_mem>>)
          %dma_wait3A_163 = tpu.memref_slice %arg3[%multiple_of3A_65] : memref<172032xi32, #tpu.memory_space<hbm>> -> memref<384xi32, #tpu.memory_space<hbm>>
          %dma_wait3A_164 = tpu.memref_slice %arg3[%multiple_of3A_65] : memref<172032xi32, #tpu.memory_space<hbm>> -> memref<384xi32, #tpu.memory_space<hbm>>
          tpu.wait_dma2 semaphore(%run_scoped3A : memref<!tpu.dma_semaphore, #tpu.memory_space<semaphore_mem>>) src(%dma_wait3A_164 : memref<384xi32, #tpu.memory_space<hbm>>) dst(%arg5 : memref<384xi32, #tpu.memory_space<vmem>>)
          tpu.yield
        }) : () -> ()
        %dma_wait3A_157 = arith.constant 0 : i32
        %dma_wait3A_158 = tpu.memref_slice %arg4[%multiple_of3A_49, %dma_wait3A_157] : memref<172032x128xf32, #tpu.memory_space<hbm>> -> memref<384x128xf32, #tpu.memory_space<hbm>>
        %dma_wait3A_159 = arith.constant 0 : i32
        %dma_wait3A_160 = tpu.memref_slice %arg4[%multiple_of3A_49, %dma_wait3A_159] : memref<172032x128xf32, #tpu.memory_space<hbm>> -> memref<384x128xf32, #tpu.memory_space<hbm>>
        tpu.wait_dma2 semaphore(%arg11 : memref<!tpu.dma_semaphore, #tpu.memory_space<semaphore_mem>>) src(%arg7 : memref<384x128xf32, #tpu.memory_space<vmem>>) dst(%dma_wait3A_160 : memref<384x128xf32, #tpu.memory_space<hbm>>)
      } else {
      }
      %dma_wait3A_124 = arith.constant 0 : i32
      %dma_wait3A_125 = arith.constant 0 : i32
      %dma_wait3A_126 = tpu.memref_slice %arg8[%dma_wait3A_124, %dma_wait3A_125] : memref<384x128xf32, #tpu.memory_space<vmem>> -> memref<128x128xf32, #tpu.memory_space<vmem>>
      %dma_wait3A_127 = arith.constant 0 : i32
      %dma_wait3A_128 = tpu.memref_slice %arg6[%dma_wait3A_127] : memref<384xi32, #tpu.memory_space<vmem>> -> memref<128xi32, #tpu.memory_space<vmem>>
      %dma_wait3A_129 = arith.constant 0 : i32
      %dma_wait3A_130 = arith.constant 0 : i32
      %dma_wait3A_131 = tpu.memref_slice %arg2[%dma_wait3A_129, %dma_wait3A_130] : memref<10000x128xf32, #tpu.memory_space<hbm>> -> memref<10000x128xf32, #tpu.memory_space<hbm>>
      tpu.wait_indirect_dma semaphore(%arg10 : memref<!tpu.dma_semaphore, #tpu.memory_space<semaphore_mem>>) src(%dma_wait3A_131 : memref<10000x128xf32, #tpu.memory_space<hbm>>) dst(%dma_wait3A_126 : memref<128x128xf32, #tpu.memory_space<vmem>>)
      %dma_wait3A_132 = arith.constant 128 : i32
      %dma_wait3A_133 = arith.constant 0 : i32
      %dma_wait3A_134 = tpu.memref_slice %arg8[%dma_wait3A_132, %dma_wait3A_133] : memref<384x128xf32, #tpu.memory_space<vmem>> -> memref<128x128xf32, #tpu.memory_space<vmem>>
      %dma_wait3A_135 = arith.constant 128 : i32
      %dma_wait3A_136 = tpu.memref_slice %arg6[%dma_wait3A_135] : memref<384xi32, #tpu.memory_space<vmem>> -> memref<128xi32, #tpu.memory_space<vmem>>
      %dma_wait3A_137 = arith.constant 0 : i32
      %dma_wait3A_138 = arith.constant 0 : i32
      %dma_wait3A_139 = tpu.memref_slice %arg2[%dma_wait3A_137, %dma_wait3A_138] : memref<10000x128xf32, #tpu.memory_space<hbm>> -> memref<10000x128xf32, #tpu.memory_space<hbm>>
      tpu.wait_indirect_dma semaphore(%arg10 : memref<!tpu.dma_semaphore, #tpu.memory_space<semaphore_mem>>) src(%dma_wait3A_139 : memref<10000x128xf32, #tpu.memory_space<hbm>>) dst(%dma_wait3A_134 : memref<128x128xf32, #tpu.memory_space<vmem>>)
      %dma_wait3A_140 = arith.constant 256 : i32
      %dma_wait3A_141 = arith.constant 0 : i32
      %dma_wait3A_142 = tpu.memref_slice %arg8[%dma_wait3A_140, %dma_wait3A_141] : memref<384x128xf32, #tpu.memory_space<vmem>> -> memref<128x128xf32, #tpu.memory_space<vmem>>
      %dma_wait3A_143 = arith.constant 256 : i32
      %dma_wait3A_144 = tpu.memref_slice %arg6[%dma_wait3A_143] : memref<384xi32, #tpu.memory_space<vmem>> -> memref<128xi32, #tpu.memory_space<vmem>>
      %dma_wait3A_145 = arith.constant 0 : i32
      %dma_wait3A_146 = arith.constant 0 : i32
      %dma_wait3A_147 = tpu.memref_slice %arg2[%dma_wait3A_145, %dma_wait3A_146] : memref<10000x128xf32, #tpu.memory_space<hbm>> -> memref<10000x128xf32, #tpu.memory_space<hbm>>
      tpu.wait_indirect_dma semaphore(%arg10 : memref<!tpu.dma_semaphore, #tpu.memory_space<semaphore_mem>>) src(%dma_wait3A_147 : memref<10000x128xf32, #tpu.memory_space<hbm>>) dst(%dma_wait3A_142 : memref<128x128xf32, #tpu.memory_space<vmem>>)
      %dma_start3A_148 = arith.constant 0 : i32
      %dma_start3A_149 = tpu.memref_slice %arg4[%multiple_of3A_57, %dma_start3A_148] : memref<172032x128xf32, #tpu.memory_space<hbm>> -> memref<384x128xf32, #tpu.memory_space<hbm>>
      %dma_start3A_150 = arith.constant 0 : i32
      %dma_start3A_151 = tpu.memref_slice %arg4[%multiple_of3A_57, %dma_start3A_150] : memref<172032x128xf32, #tpu.memory_space<hbm>> -> memref<384x128xf32, #tpu.memory_space<hbm>>
      tpu.enqueue_dma source(%arg8 : memref<384x128xf32, #tpu.memory_space<vmem>>) target(%dma_start3A_151 : memref<384x128xf32, #tpu.memory_space<hbm>>) target_semaphore(%arg12 : memref<!tpu.dma_semaphore, #tpu.memory_space<semaphore_mem>>)
      %lt3A_152 = arith.constant 6 : i32
      %lt3A_153 = arith.cmpi slt, %scan3A_43, %lt3A_152 : i32
      %convert_element_type3A_154 = arith.extui %lt3A_153 : i1 to i32
      %cond3A_155 = arith.constant 0 : i32
      %cond3A_156 = arith.cmpi ne, %convert_element_type3A_154, %cond3A_155 : i32
      scf.if %cond3A_156 {
        %dma_start3A_157 = arith.constant 0 : i32
        %dma_start3A_158 = arith.constant 0 : i32
        %dma_start3A_159 = tpu.memref_slice %arg7[%dma_start3A_157, %dma_start3A_158] : memref<384x128xf32, #tpu.memory_space<vmem>> -> memref<128x128xf32, #tpu.memory_space<vmem>>
        %dma_start3A_160 = arith.constant 0 : i32
        %dma_start3A_161 = tpu.memref_slice %arg5[%dma_start3A_160] : memref<384xi32, #tpu.memory_space<vmem>> -> memref<128xi32, #tpu.memory_space<vmem>>
        %dma_start3A_162 = arith.constant 0 : i32
        %dma_start3A_163 = arith.constant 0 : i32
        %dma_start3A_164 = tpu.memref_slice %arg2[%dma_start3A_162, %dma_start3A_163] : memref<10000x128xf32, #tpu.memory_space<hbm>> -> memref<10000x128xf32, #tpu.memory_space<hbm>>
        tpu.enqueue_indirect_dma source(%dma_start3A_164 : memref<10000x128xf32, #tpu.memory_space<hbm>>) target(%dma_start3A_159 : memref<128x128xf32, #tpu.memory_space<vmem>>) offsets(%dma_start3A_161 : memref<128xi32, #tpu.memory_space<vmem>>) semaphore(%arg9 : memref<!tpu.dma_semaphore, #tpu.memory_space<semaphore_mem>>)
        %dma_start3A_165 = arith.constant 128 : i32
        %dma_start3A_166 = arith.constant 0 : i32
        %dma_start3A_167 = tpu.memref_slice %arg7[%dma_start3A_165, %dma_start3A_166] : memref<384x128xf32, #tpu.memory_space<vmem>> -> memref<128x128xf32, #tpu.memory_space<vmem>>
        %dma_start3A_168 = arith.constant 128 : i32
        %dma_start3A_169 = tpu.memref_slice %arg5[%dma_start3A_168] : memref<384xi32, #tpu.memory_space<vmem>> -> memref<128xi32, #tpu.memory_space<vmem>>
        %dma_start3A_170 = arith.constant 0 : i32
        %dma_start3A_171 = arith.constant 0 : i32
        %dma_start3A_172 = tpu.memref_slice %arg2[%dma_start3A_170, %dma_start3A_171] : memref<10000x128xf32, #tpu.memory_space<hbm>> -> memref<10000x128xf32, #tpu.memory_space<hbm>>
        tpu.enqueue_indirect_dma source(%dma_start3A_172 : memref<10000x128xf32, #tpu.memory_space<hbm>>) target(%dma_start3A_167 : memref<128x128xf32, #tpu.memory_space<vmem>>) offsets(%dma_start3A_169 : memref<128xi32, #tpu.memory_space<vmem>>) semaphore(%arg9 : memref<!tpu.dma_semaphore, #tpu.memory_space<semaphore_mem>>)
        %dma_start3A_173 = arith.constant 256 : i32
        %dma_start3A_174 = arith.constant 0 : i32
        %dma_start3A_175 = tpu.memref_slice %arg7[%dma_start3A_173, %dma_start3A_174] : memref<384x128xf32, #tpu.memory_space<vmem>> -> memref<128x128xf32, #tpu.memory_space<vmem>>
        %dma_start3A_176 = arith.constant 256 : i32
        %dma_start3A_177 = tpu.memref_slice %arg5[%dma_start3A_176] : memref<384xi32, #tpu.memory_space<vmem>> -> memref<128xi32, #tpu.memory_space<vmem>>
        %dma_start3A_178 = arith.constant 0 : i32
        %dma_start3A_179 = arith.constant 0 : i32
        %dma_start3A_180 = tpu.memref_slice %arg2[%dma_start3A_178, %dma_start3A_179] : memref<10000x128xf32, #tpu.memory_space<hbm>> -> memref<10000x128xf32, #tpu.memory_space<hbm>>
        tpu.enqueue_indirect_dma source(%dma_start3A_180 : memref<10000x128xf32, #tpu.memory_space<hbm>>) target(%dma_start3A_175 : memref<128x128xf32, #tpu.memory_space<vmem>>) offsets(%dma_start3A_177 : memref<128xi32, #tpu.memory_space<vmem>>) semaphore(%arg9 : memref<!tpu.dma_semaphore, #tpu.memory_space<semaphore_mem>>)
      } else {
      }
    }
    %scan3A_30 = arith.constant 7 : i32
    %add3A_31 = arith.constant 4608 : i32
    %add3A_32 = arith.addi %mul3A_2, %add3A_31 : i32
    %multiple_of3A = tpu.assume_multiple %add3A_32, 384 : i32
    %add3A_33 = arith.constant 4992 : i32
    %add3A_34 = arith.addi %mul3A_2, %add3A_33 : i32
    %multiple_of3A_35 = tpu.assume_multiple %add3A_34, 384 : i32
    %dma_wait3A = arith.constant 0 : i32
    %dma_wait3A_36 = tpu.memref_slice %arg4[%multiple_of3A, %dma_wait3A] : memref<172032x128xf32, #tpu.memory_space<hbm>> -> memref<384x128xf32, #tpu.memory_space<hbm>>
    %dma_wait3A_37 = arith.constant 0 : i32
    %dma_wait3A_38 = tpu.memref_slice %arg4[%multiple_of3A, %dma_wait3A_37] : memref<172032x128xf32, #tpu.memory_space<hbm>> -> memref<384x128xf32, #tpu.memory_space<hbm>>
    tpu.wait_dma2 semaphore(%arg11 : memref<!tpu.dma_semaphore, #tpu.memory_space<semaphore_mem>>) src(%arg7 : memref<384x128xf32, #tpu.memory_space<vmem>>) dst(%dma_wait3A_38 : memref<384x128xf32, #tpu.memory_space<hbm>>)
    %dma_wait3A_39 = arith.constant 0 : i32
    %dma_wait3A_40 = tpu.memref_slice %arg4[%multiple_of3A_35, %dma_wait3A_39] : memref<172032x128xf32, #tpu.memory_space<hbm>> -> memref<384x128xf32, #tpu.memory_space<hbm>>
    %dma_wait3A_41 = arith.constant 0 : i32
    %dma_wait3A_42 = tpu.memref_slice %arg4[%multiple_of3A_35, %dma_wait3A_41] : memref<172032x128xf32, #tpu.memory_space<hbm>> -> memref<384x128xf32, #tpu.memory_space<hbm>>
    tpu.wait_dma2 semaphore(%arg12 : memref<!tpu.dma_semaphore, #tpu.memory_space<semaphore_mem>>) src(%arg8 : memref<384x128xf32, #tpu.memory_space<vmem>>) dst(%dma_wait3A_42 : memref<384x128xf32, #tpu.memory_space<hbm>>)
    return
  }
}

module attributes {stable_mosaic.version = 14 : i64} {
  func.func @_tc_body(%arg0: i32, %arg1: memref<2x17x200x128xf32, #tpu.memory_space<vmem>>, %arg2: memref<128x128xf32, #tpu.memory_space<vmem>>, %arg3: memref<128x128xf32, #tpu.memory_space<vmem>>, %arg4: memref<128x128xf32, #tpu.memory_space<vmem>>, %arg5: memref<16x128xf32, #tpu.memory_space<vmem>>, %arg6: memref<10x200x128xf32, #tpu.memory_space<vmem>>, %arg7: memref<16x128xf32, #tpu.memory_space<vmem>>) attributes {dimension_semantics = [#tpu.dimension_semantics<arbitrary>], iteration_bounds = array<i64: 25>, scalar_prefetch = 0 : i64, scratch_operands = 0 : i64, tpu.core_type = #tpu.core_type<tc>, window_params = [{transform_indices = @transform_0, window_bounds = array<i64: 2, 17, 200, 128>}, {pipeline_mode = #tpu.pipeline_mode<synchronous>, transform_indices = @transform_1, window_bounds = array<i64: 128, 128>}, {pipeline_mode = #tpu.pipeline_mode<synchronous>, transform_indices = @transform_2, window_bounds = array<i64: 128, 128>}, {pipeline_mode = #tpu.pipeline_mode<synchronous>, transform_indices = @transform_3, window_bounds = array<i64: 128, 128>}, {pipeline_mode = #tpu.pipeline_mode<synchronous>, transform_indices = @transform_4, window_bounds = array<i64: 16, 128>}, {transform_indices = @transform_5, window_bounds = array<i64: 10, 200, 128>}, {pipeline_mode = #tpu.pipeline_mode<synchronous>, transform_indices = @transform_6, window_bounds = array<i64: 16, 128>}]} {
    %get3A = arith.constant 0 : index
    %get3A_0 = arith.constant 0 : index
    %get3A_1 = arith.constant 0 : index
    %get3A_2 = arith.constant 0 : index
    %get3A_3 = vector.load %arg1[%get3A, %get3A_0, %get3A_1, %get3A_2] : memref<2x17x200x128xf32, #tpu.memory_space<vmem>>, vector<1x17x200x128xf32>
    %get3A_4 = vector.shape_cast %get3A_3 : vector<1x17x200x128xf32> to vector<17x200x128xf32>
    %get3A_5 = arith.constant 1 : index
    %get3A_6 = arith.constant 0 : index
    %get3A_7 = arith.constant 0 : index
    %get3A_8 = arith.constant 0 : index
    %get3A_9 = vector.load %arg1[%get3A_5, %get3A_6, %get3A_7, %get3A_8] : memref<2x17x200x128xf32, #tpu.memory_space<vmem>>, vector<1x17x200x128xf32>
    %get3A_10 = vector.shape_cast %get3A_9 : vector<1x17x200x128xf32> to vector<17x200x128xf32>
    %get3A_11 = arith.constant 0 : index
    %get3A_12 = arith.constant 0 : index
    %get3A_13 = vector.load %arg2[%get3A_11, %get3A_12] : memref<128x128xf32, #tpu.memory_space<vmem>>, vector<128x128xf32>
    %get3A_14 = arith.constant 0 : index
    %get3A_15 = arith.constant 0 : index
    %get3A_16 = vector.load %arg3[%get3A_14, %get3A_15] : memref<128x128xf32, #tpu.memory_space<vmem>>, vector<128x128xf32>
    %get3A_17 = arith.constant 0 : index
    %get3A_18 = arith.constant 0 : index
    %get3A_19 = vector.load %arg4[%get3A_17, %get3A_18] : memref<128x128xf32, #tpu.memory_space<vmem>>, vector<128x128xf32>
    %get3A_20 = arith.constant 0 : index
    %get3A_21 = arith.constant 0 : index
    %get3A_22 = vector.load %arg5[%get3A_20, %get3A_21] : memref<16x128xf32, #tpu.memory_space<vmem>>, vector<16x128xf32>
    %reshape3A = vector.shape_cast %get3A_4 : vector<17x200x128xf32> to vector<3400x128xf32>
    %convert_element_type3A = arith.truncf %reshape3A : vector<3400x128xf32> to vector<3400x128xbf16>
    %convert_element_type3A_23 = arith.truncf %get3A_13 : vector<128x128xf32> to vector<128x128xbf16>
    %dot_general3A = arith.constant dense<0.000000e+00> : vector<3400x128xf32>
    %dot_general3A_24 = tpu.matmul %convert_element_type3A, %convert_element_type3A_23, %dot_general3A {dimension_numbers = #tpu.dot_dimension_numbers<[1], [0], [0], [1], [0, 0, 1, 1], [], []>, transpose_lhs_hint = false} : vector<3400x128xbf16>, vector<128x128xbf16>, vector<3400x128xf32> -> vector<3400x128xf32>
    %reshape3A_25 = vector.shape_cast %dot_general3A_24 : vector<3400x128xf32> to vector<17x200x128xf32>
    %reshape3A_26 = vector.shape_cast %get3A_10 : vector<17x200x128xf32> to vector<3400x128xf32>
    %convert_element_type3A_27 = arith.truncf %reshape3A_26 : vector<3400x128xf32> to vector<3400x128xbf16>
    %convert_element_type3A_28 = arith.truncf %get3A_13 : vector<128x128xf32> to vector<128x128xbf16>
    %dot_general3A_29 = arith.constant dense<0.000000e+00> : vector<3400x128xf32>
    %dot_general3A_30 = tpu.matmul %convert_element_type3A_27, %convert_element_type3A_28, %dot_general3A_29 {dimension_numbers = #tpu.dot_dimension_numbers<[1], [0], [0], [1], [0, 0, 1, 1], [], []>, transpose_lhs_hint = false} : vector<3400x128xbf16>, vector<128x128xbf16>, vector<3400x128xf32> -> vector<3400x128xf32>
    %reshape3A_31 = vector.shape_cast %dot_general3A_30 : vector<3400x128xf32> to vector<17x200x128xf32>
    %reshape3A_32 = vector.shape_cast %get3A_4 : vector<17x200x128xf32> to vector<3400x128xf32>
    %convert_element_type3A_33 = arith.truncf %reshape3A_32 : vector<3400x128xf32> to vector<3400x128xbf16>
    %convert_element_type3A_34 = arith.truncf %get3A_16 : vector<128x128xf32> to vector<128x128xbf16>
    %dot_general3A_35 = arith.constant dense<0.000000e+00> : vector<3400x128xf32>
    %dot_general3A_36 = tpu.matmul %convert_element_type3A_33, %convert_element_type3A_34, %dot_general3A_35 {dimension_numbers = #tpu.dot_dimension_numbers<[1], [0], [0], [1], [0, 0, 1, 1], [], []>, transpose_lhs_hint = false} : vector<3400x128xbf16>, vector<128x128xbf16>, vector<3400x128xf32> -> vector<3400x128xf32>
    %reshape3A_37 = vector.shape_cast %dot_general3A_36 : vector<3400x128xf32> to vector<17x200x128xf32>
    %reshape3A_38 = vector.shape_cast %get3A_10 : vector<17x200x128xf32> to vector<3400x128xf32>
    %convert_element_type3A_39 = arith.truncf %reshape3A_38 : vector<3400x128xf32> to vector<3400x128xbf16>
    %convert_element_type3A_40 = arith.truncf %get3A_16 : vector<128x128xf32> to vector<128x128xbf16>
    %dot_general3A_41 = arith.constant dense<0.000000e+00> : vector<3400x128xf32>
    %dot_general3A_42 = tpu.matmul %convert_element_type3A_39, %convert_element_type3A_40, %dot_general3A_41 {dimension_numbers = #tpu.dot_dimension_numbers<[1], [0], [0], [1], [0, 0, 1, 1], [], []>, transpose_lhs_hint = false} : vector<3400x128xbf16>, vector<128x128xbf16>, vector<3400x128xf32> -> vector<3400x128xf32>
    %reshape3A_43 = vector.shape_cast %dot_general3A_42 : vector<3400x128xf32> to vector<17x200x128xf32>
    %sub3A = arith.subf %reshape3A_25, %reshape3A_31 : vector<17x200x128xf32>
    %sub3A_44 = arith.subf %get3A_4, %get3A_10 : vector<17x200x128xf32>
    %mul3A = arith.mulf %sub3A_44, %sub3A_44 : vector<17x200x128xf32>
    %reduce_sum3A = arith.constant dense<0.000000e+00> : vector<17x200xf32>
    %reduce_sum3A_45 = vector.multi_reduction <add>, %mul3A, %reduce_sum3A [2] : vector<17x200x128xf32> to vector<17x200xf32>
    %broadcast_in_dim3A = vector.shape_cast %reduce_sum3A_45 : vector<17x200xf32> to vector<17x200x1xf32>
    %sqrt3A = math.sqrt %broadcast_in_dim3A : vector<17x200x1xf32>
    %reduce_sum3A_46 = arith.constant dense<0.000000e+00> : vector<128xf32>
    %reduce_sum3A_47 = vector.multi_reduction <add>, %get3A_16, %reduce_sum3A_46 [0] : vector<128x128xf32> to vector<128xf32>
    %broadcast_in_dim3A_48 = vector.shape_cast %reduce_sum3A_47 : vector<128xf32> to vector<1x128xf32>
    %broadcast_in_dim3A_49 = vector.shape_cast %broadcast_in_dim3A_48 : vector<1x128xf32> to vector<1x1x128xf32>
    %sub3A_50 = arith.subf %reshape3A_37, %reshape3A_43 : vector<17x200x128xf32>
    %reduce_sum3A_51 = arith.constant dense<0.000000e+00> : vector<200x128xf32>
    %reduce_sum3A_52 = vector.multi_reduction <add>, %reshape3A_37, %reduce_sum3A_51 [0] : vector<17x200x128xf32> to vector<200x128xf32>
    %broadcast_in_dim3A_53 = vector.shape_cast %reduce_sum3A_52 : vector<200x128xf32> to vector<1x200x128xf32>
    %div3A = arith.constant 1.700000e+01 : f32
    %div3A_54 = vector.broadcast %div3A : f32 to vector<1x200x128xf32>
    %div3A_55 = arith.divf %broadcast_in_dim3A_53, %div3A_54 : vector<1x200x128xf32>
    %sub3A_56 = vector.broadcast %div3A_55 : vector<1x200x128xf32> to vector<17x200x128xf32>
    %sub3A_57 = arith.subf %reshape3A_37, %sub3A_56 : vector<17x200x128xf32>
    %mul3A_58 = vector.broadcast %sqrt3A : vector<17x200x1xf32> to vector<17x200x128xf32>
    %mul3A_59 = vector.broadcast %broadcast_in_dim3A_49 : vector<1x1x128xf32> to vector<17x200x128xf32>
    %mul3A_60 = arith.mulf %mul3A_58, %mul3A_59 : vector<17x200x128xf32>
    %add3A = arith.addf %reshape3A_25, %reshape3A_43 : vector<17x200x128xf32>
    %max3A = arith.constant 0.000000e+00 : f32
    %max3A_61 = vector.broadcast %max3A : f32 to vector<17x200x128xf32>
    %max3A_62 = arith.maximumf %add3A, %max3A_61 : vector<17x200x128xf32>
    %reshape3A_63 = vector.shape_cast %max3A_62 : vector<17x200x128xf32> to vector<3400x128xf32>
    %convert_element_type3A_64 = arith.truncf %reshape3A_63 : vector<3400x128xf32> to vector<3400x128xbf16>
    %convert_element_type3A_65 = arith.truncf %get3A_13 : vector<128x128xf32> to vector<128x128xbf16>
    %dot_general3A_66 = arith.constant dense<0.000000e+00> : vector<3400x128xf32>
    %dot_general3A_67 = tpu.matmul %convert_element_type3A_64, %convert_element_type3A_65, %dot_general3A_66 {dimension_numbers = #tpu.dot_dimension_numbers<[1], [0], [0], [1], [0, 0, 1, 1], [], []>, transpose_lhs_hint = false} : vector<3400x128xbf16>, vector<128x128xbf16>, vector<3400x128xf32> -> vector<3400x128xf32>
    %reshape3A_68 = vector.shape_cast %dot_general3A_67 : vector<3400x128xf32> to vector<17x200x128xf32>
    %add3A_69 = arith.addf %reshape3A_25, %sub3A_50 : vector<17x200x128xf32>
    %max3A_70 = arith.constant 0.000000e+00 : f32
    %max3A_71 = vector.broadcast %max3A_70 : f32 to vector<17x200x128xf32>
    %max3A_72 = arith.maximumf %add3A_69, %max3A_71 : vector<17x200x128xf32>
    %reshape3A_73 = vector.shape_cast %max3A_72 : vector<17x200x128xf32> to vector<3400x128xf32>
    %convert_element_type3A_74 = arith.truncf %reshape3A_73 : vector<3400x128xf32> to vector<3400x128xbf16>
    %convert_element_type3A_75 = arith.truncf %get3A_13 : vector<128x128xf32> to vector<128x128xbf16>
    %dot_general3A_76 = arith.constant dense<0.000000e+00> : vector<3400x128xf32>
    %dot_general3A_77 = tpu.matmul %convert_element_type3A_74, %convert_element_type3A_75, %dot_general3A_76 {dimension_numbers = #tpu.dot_dimension_numbers<[1], [0], [0], [1], [0, 0, 1, 1], [], []>, transpose_lhs_hint = false} : vector<3400x128xbf16>, vector<128x128xbf16>, vector<3400x128xf32> -> vector<3400x128xf32>
    %reshape3A_78 = vector.shape_cast %dot_general3A_77 : vector<3400x128xf32> to vector<17x200x128xf32>
    %add3A_79 = arith.addf %reshape3A_25, %sub3A_57 : vector<17x200x128xf32>
    %max3A_80 = arith.constant 0.000000e+00 : f32
    %max3A_81 = vector.broadcast %max3A_80 : f32 to vector<17x200x128xf32>
    %max3A_82 = arith.maximumf %add3A_79, %max3A_81 : vector<17x200x128xf32>
    %reshape3A_83 = vector.shape_cast %max3A_82 : vector<17x200x128xf32> to vector<3400x128xf32>
    %convert_element_type3A_84 = arith.truncf %reshape3A_83 : vector<3400x128xf32> to vector<3400x128xbf16>
    %convert_element_type3A_85 = arith.truncf %get3A_13 : vector<128x128xf32> to vector<128x128xbf16>
    %dot_general3A_86 = arith.constant dense<0.000000e+00> : vector<3400x128xf32>
    %dot_general3A_87 = tpu.matmul %convert_element_type3A_84, %convert_element_type3A_85, %dot_general3A_86 {dimension_numbers = #tpu.dot_dimension_numbers<[1], [0], [0], [1], [0, 0, 1, 1], [], []>, transpose_lhs_hint = false} : vector<3400x128xbf16>, vector<128x128xbf16>, vector<3400x128xf32> -> vector<3400x128xf32>
    %reshape3A_88 = vector.shape_cast %dot_general3A_87 : vector<3400x128xf32> to vector<17x200x128xf32>
    %add3A_89 = arith.addf %reshape3A_31, %sub3A_50 : vector<17x200x128xf32>
    %max3A_90 = arith.constant 0.000000e+00 : f32
    %max3A_91 = vector.broadcast %max3A_90 : f32 to vector<17x200x128xf32>
    %max3A_92 = arith.maximumf %add3A_89, %max3A_91 : vector<17x200x128xf32>
    %reshape3A_93 = vector.shape_cast %max3A_92 : vector<17x200x128xf32> to vector<3400x128xf32>
    %convert_element_type3A_94 = arith.truncf %reshape3A_93 : vector<3400x128xf32> to vector<3400x128xbf16>
    %convert_element_type3A_95 = arith.truncf %get3A_13 : vector<128x128xf32> to vector<128x128xbf16>
    %dot_general3A_96 = arith.constant dense<0.000000e+00> : vector<3400x128xf32>
    %dot_general3A_97 = tpu.matmul %convert_element_type3A_94, %convert_element_type3A_95, %dot_general3A_96 {dimension_numbers = #tpu.dot_dimension_numbers<[1], [0], [0], [1], [0, 0, 1, 1], [], []>, transpose_lhs_hint = false} : vector<3400x128xbf16>, vector<128x128xbf16>, vector<3400x128xf32> -> vector<3400x128xf32>
    %reshape3A_98 = vector.shape_cast %dot_general3A_97 : vector<3400x128xf32> to vector<17x200x128xf32>
    %add3A_99 = arith.addf %reshape3A_31, %sub3A_57 : vector<17x200x128xf32>
    %max3A_100 = arith.constant 0.000000e+00 : f32
    %max3A_101 = vector.broadcast %max3A_100 : f32 to vector<17x200x128xf32>
    %max3A_102 = arith.maximumf %add3A_99, %max3A_101 : vector<17x200x128xf32>
    %reshape3A_103 = vector.shape_cast %max3A_102 : vector<17x200x128xf32> to vector<3400x128xf32>
    %convert_element_type3A_104 = arith.truncf %reshape3A_103 : vector<3400x128xf32> to vector<3400x128xbf16>
    %convert_element_type3A_105 = arith.truncf %get3A_13 : vector<128x128xf32> to vector<128x128xbf16>
    %dot_general3A_106 = arith.constant dense<0.000000e+00> : vector<3400x128xf32>
    %dot_general3A_107 = tpu.matmul %convert_element_type3A_104, %convert_element_type3A_105, %dot_general3A_106 {dimension_numbers = #tpu.dot_dimension_numbers<[1], [0], [0], [1], [0, 0, 1, 1], [], []>, transpose_lhs_hint = false} : vector<3400x128xbf16>, vector<128x128xbf16>, vector<3400x128xf32> -> vector<3400x128xf32>
    %reshape3A_108 = vector.shape_cast %dot_general3A_107 : vector<3400x128xf32> to vector<17x200x128xf32>
    %add3A_109 = arith.addf %sub3A, %sub3A_57 : vector<17x200x128xf32>
    %max3A_110 = arith.constant 0.000000e+00 : f32
    %max3A_111 = vector.broadcast %max3A_110 : f32 to vector<17x200x128xf32>
    %max3A_112 = arith.maximumf %add3A_109, %max3A_111 : vector<17x200x128xf32>
    %reshape3A_113 = vector.shape_cast %max3A_112 : vector<17x200x128xf32> to vector<3400x128xf32>
    %convert_element_type3A_114 = arith.truncf %reshape3A_113 : vector<3400x128xf32> to vector<3400x128xbf16>
    %convert_element_type3A_115 = arith.truncf %get3A_13 : vector<128x128xf32> to vector<128x128xbf16>
    %dot_general3A_116 = arith.constant dense<0.000000e+00> : vector<3400x128xf32>
    %dot_general3A_117 = tpu.matmul %convert_element_type3A_114, %convert_element_type3A_115, %dot_general3A_116 {dimension_numbers = #tpu.dot_dimension_numbers<[1], [0], [0], [1], [0, 0, 1, 1], [], []>, transpose_lhs_hint = false} : vector<3400x128xbf16>, vector<128x128xbf16>, vector<3400x128xf32> -> vector<3400x128xf32>
    %reshape3A_118 = vector.shape_cast %dot_general3A_117 : vector<3400x128xf32> to vector<17x200x128xf32>
    %reduce_max3A = arith.constant dense<0xFF800000> : vector<200x128xf32>
    %reduce_max3A_119 = vector.multi_reduction <maximumf>, %max3A_62, %reduce_max3A [0] : vector<17x200x128xf32> to vector<200x128xf32>
    %broadcast_in_dim3A_120 = vector.shape_cast %reduce_max3A_119 : vector<200x128xf32> to vector<1x200x128xf32>
    %reduce_min3A = arith.constant dense<0x7F800000> : vector<200x128xf32>
    %reduce_min3A_121 = vector.multi_reduction <minimumf>, %max3A_62, %reduce_min3A [0] : vector<17x200x128xf32> to vector<200x128xf32>
    %broadcast_in_dim3A_122 = vector.shape_cast %reduce_min3A_121 : vector<200x128xf32> to vector<1x200x128xf32>
    %add3A_123 = arith.addf %reshape3A_68, %sub3A_50 : vector<17x200x128xf32>
    %max3A_124 = arith.constant 0.000000e+00 : f32
    %max3A_125 = vector.broadcast %max3A_124 : f32 to vector<17x200x128xf32>
    %max3A_126 = arith.maximumf %add3A_123, %max3A_125 : vector<17x200x128xf32>
    %reshape3A_127 = vector.shape_cast %max3A_126 : vector<17x200x128xf32> to vector<3400x128xf32>
    %convert_element_type3A_128 = arith.truncf %reshape3A_127 : vector<3400x128xf32> to vector<3400x128xbf16>
    %convert_element_type3A_129 = arith.truncf %get3A_19 : vector<128x128xf32> to vector<128x128xbf16>
    %dot_general3A_130 = arith.constant dense<0.000000e+00> : vector<3400x128xf32>
    %dot_general3A_131 = tpu.matmul %convert_element_type3A_128, %convert_element_type3A_129, %dot_general3A_130 {dimension_numbers = #tpu.dot_dimension_numbers<[1], [0], [0], [1], [0, 0, 1, 1], [], []>, transpose_lhs_hint = false} : vector<3400x128xbf16>, vector<128x128xbf16>, vector<3400x128xf32> -> vector<3400x128xf32>
    %reshape3A_132 = vector.shape_cast %dot_general3A_131 : vector<3400x128xf32> to vector<17x200x128xf32>
    %reduce_max3A_133 = arith.constant dense<0xFF800000> : vector<200x128xf32>
    %reduce_max3A_134 = vector.multi_reduction <maximumf>, %reshape3A_132, %reduce_max3A_133 [0] : vector<17x200x128xf32> to vector<200x128xf32>
    %max3A_135 = arith.constant 0.000000e+00 : f32
    %max3A_136 = vector.broadcast %max3A_135 : f32 to vector<200x128xf32>
    %max3A_137 = arith.maximumf %reduce_max3A_134, %max3A_136 : vector<200x128xf32>
    %swap3A = arith.constant 0 : index
    %swap3A_138 = arith.constant 0 : index
    %swap3A_139 = arith.constant 0 : index
    %swap3A_140 = vector.load %arg6[%swap3A, %swap3A_138, %swap3A_139] : memref<10x200x128xf32, #tpu.memory_space<vmem>>, vector<1x200x128xf32>
    %swap3A_141 = vector.shape_cast %swap3A_140 : vector<1x200x128xf32> to vector<200x128xf32>
    %swap3A_142 = vector.shape_cast %max3A_137 : vector<200x128xf32> to vector<1x200x128xf32>
    tpu.vector_store %arg6[%swap3A, %swap3A_138, %swap3A_139], %swap3A_142 {strides = array<i32>} : memref<10x200x128xf32, #tpu.memory_space<vmem>>, vector<1x200x128xf32>,
    %slice3A = vector.extract_strided_slice %get3A_22 {offsets = [0, 0], sizes = [1, 128], strides = [1, 1]} : vector<16x128xf32> to vector<1x128xf32>
    %squeeze3A = vector.shape_cast %slice3A : vector<1x128xf32> to vector<128xf32>
    %broadcast_in_dim3A_143 = vector.shape_cast %squeeze3A : vector<128xf32> to vector<1x1x128xf32>
    %ge3A = arith.constant 0.000000e+00 : f32
    %ge3A_144 = vector.broadcast %ge3A : f32 to vector<1x1x128xf32>
    %ge3A_145 = arith.cmpf oge, %broadcast_in_dim3A_143, %ge3A_144 : vector<1x1x128xf32>
    %broadcast_in_dim3A_146 = vector.shape_cast %ge3A_145 : vector<1x1x128xi1> to vector<1x1x128xi1>
    %broadcast_in_dim3A_147 = vector.broadcast %broadcast_in_dim3A_146 : vector<1x1x128xi1> to vector<1x200x128xi1>
    %select_n3A = arith.select %broadcast_in_dim3A_147, %broadcast_in_dim3A_120, %broadcast_in_dim3A_122 : vector<1x200x128xi1>, vector<1x200x128xf32>
    %sub3A_148 = vector.broadcast %select_n3A : vector<1x200x128xf32> to vector<17x200x128xf32>
    %sub3A_149 = arith.subf %max3A_62, %sub3A_148 : vector<17x200x128xf32>
    %mul3A_150 = vector.broadcast %broadcast_in_dim3A_143 : vector<1x1x128xf32> to vector<17x200x128xf32>
    %mul3A_151 = arith.mulf %mul3A_150, %sub3A_149 : vector<17x200x128xf32>
    %exp3A = math.exp %mul3A_151 : vector<17x200x128xf32>
    %reduce_sum3A_152 = arith.constant dense<0.000000e+00> : vector<200x128xf32>
    %reduce_sum3A_153 = vector.multi_reduction <add>, %exp3A, %reduce_sum3A_152 [0] : vector<17x200x128xf32> to vector<200x128xf32>
    %mul3A_154 = arith.mulf %exp3A, %max3A_126 : vector<17x200x128xf32>
    %reduce_sum3A_155 = arith.constant dense<0.000000e+00> : vector<200x128xf32>
    %reduce_sum3A_156 = vector.multi_reduction <add>, %mul3A_154, %reduce_sum3A_155 [0] : vector<17x200x128xf32> to vector<200x128xf32>
    %div3A_157 = arith.divf %reduce_sum3A_156, %reduce_sum3A_153 : vector<200x128xf32>
    %reduce_sum3A_158 = arith.constant dense<0.000000e+00> : vector<128xf32>
    %reduce_sum3A_159 = vector.multi_reduction <add>, %div3A_157, %reduce_sum3A_158 [0] : vector<200x128xf32> to vector<128xf32>
    %broadcast_in_dim3A_160 = vector.shape_cast %reduce_sum3A_159 : vector<128xf32> to vector<1x128xf32>
    %add3A_161 = arith.addf %reshape3A_68, %sub3A_57 : vector<17x200x128xf32>
    %max3A_162 = arith.constant 0.000000e+00 : f32
    %max3A_163 = vector.broadcast %max3A_162 : f32 to vector<17x200x128xf32>
    %max3A_164 = arith.maximumf %add3A_161, %max3A_163 : vector<17x200x128xf32>
    %reshape3A_165 = vector.shape_cast %max3A_164 : vector<17x200x128xf32> to vector<3400x128xf32>
    %convert_element_type3A_166 = arith.truncf %reshape3A_165 : vector<3400x128xf32> to vector<3400x128xbf16>
    %convert_element_type3A_167 = arith.truncf %get3A_19 : vector<128x128xf32> to vector<128x128xbf16>
    %dot_general3A_168 = arith.constant dense<0.000000e+00> : vector<3400x128xf32>
    %dot_general3A_169 = tpu.matmul %convert_element_type3A_166, %convert_element_type3A_167, %dot_general3A_168 {dimension_numbers = #tpu.dot_dimension_numbers<[1], [0], [0], [1], [0, 0, 1, 1], [], []>, transpose_lhs_hint = false} : vector<3400x128xbf16>, vector<128x128xbf16>, vector<3400x128xf32> -> vector<3400x128xf32>
    %reshape3A_170 = vector.shape_cast %dot_general3A_169 : vector<3400x128xf32> to vector<17x200x128xf32>
    %reduce_max3A_171 = arith.constant dense<0xFF800000> : vector<200x128xf32>
    %reduce_max3A_172 = vector.multi_reduction <maximumf>, %reshape3A_170, %reduce_max3A_171 [0] : vector<17x200x128xf32> to vector<200x128xf32>
    %max3A_173 = arith.constant 0.000000e+00 : f32
    %max3A_174 = vector.broadcast %max3A_173 : f32 to vector<200x128xf32>
    %max3A_175 = arith.maximumf %reduce_max3A_172, %max3A_174 : vector<200x128xf32>
    %swap3A_176 = arith.constant 1 : index
    %swap3A_177 = arith.constant 0 : index
    %swap3A_178 = arith.constant 0 : index
    %swap3A_179 = vector.load %arg6[%swap3A_176, %swap3A_177, %swap3A_178] : memref<10x200x128xf32, #tpu.memory_space<vmem>>, vector<1x200x128xf32>
    %swap3A_180 = vector.shape_cast %swap3A_179 : vector<1x200x128xf32> to vector<200x128xf32>
    %swap3A_181 = vector.shape_cast %max3A_175 : vector<200x128xf32> to vector<1x200x128xf32>
    tpu.vector_store %arg6[%swap3A_176, %swap3A_177, %swap3A_178], %swap3A_181 {strides = array<i32>} : memref<10x200x128xf32, #tpu.memory_space<vmem>>, vector<1x200x128xf32>,
    %slice3A_182 = vector.extract_strided_slice %get3A_22 {offsets = [1, 0], sizes = [1, 128], strides = [1, 1]} : vector<16x128xf32> to vector<1x128xf32>
    %squeeze3A_183 = vector.shape_cast %slice3A_182 : vector<1x128xf32> to vector<128xf32>
    %broadcast_in_dim3A_184 = vector.shape_cast %squeeze3A_183 : vector<128xf32> to vector<1x1x128xf32>
    %ge3A_185 = arith.constant 0.000000e+00 : f32
    %ge3A_186 = vector.broadcast %ge3A_185 : f32 to vector<1x1x128xf32>
    %ge3A_187 = arith.cmpf oge, %broadcast_in_dim3A_184, %ge3A_186 : vector<1x1x128xf32>
    %broadcast_in_dim3A_188 = vector.shape_cast %ge3A_187 : vector<1x1x128xi1> to vector<1x1x128xi1>
    %broadcast_in_dim3A_189 = vector.broadcast %broadcast_in_dim3A_188 : vector<1x1x128xi1> to vector<1x200x128xi1>
    %select_n3A_190 = arith.select %broadcast_in_dim3A_189, %broadcast_in_dim3A_120, %broadcast_in_dim3A_122 : vector<1x200x128xi1>, vector<1x200x128xf32>
    %sub3A_191 = vector.broadcast %select_n3A_190 : vector<1x200x128xf32> to vector<17x200x128xf32>
    %sub3A_192 = arith.subf %max3A_62, %sub3A_191 : vector<17x200x128xf32>
    %mul3A_193 = vector.broadcast %broadcast_in_dim3A_184 : vector<1x1x128xf32> to vector<17x200x128xf32>
    %mul3A_194 = arith.mulf %mul3A_193, %sub3A_192 : vector<17x200x128xf32>
    %exp3A_195 = math.exp %mul3A_194 : vector<17x200x128xf32>
    %reduce_sum3A_196 = arith.constant dense<0.000000e+00> : vector<200x128xf32>
    %reduce_sum3A_197 = vector.multi_reduction <add>, %exp3A_195, %reduce_sum3A_196 [0] : vector<17x200x128xf32> to vector<200x128xf32>
    %mul3A_198 = arith.mulf %exp3A_195, %max3A_164 : vector<17x200x128xf32>
    %reduce_sum3A_199 = arith.constant dense<0.000000e+00> : vector<200x128xf32>
    %reduce_sum3A_200 = vector.multi_reduction <add>, %mul3A_198, %reduce_sum3A_199 [0] : vector<17x200x128xf32> to vector<200x128xf32>
    %div3A_201 = arith.divf %reduce_sum3A_200, %reduce_sum3A_197 : vector<200x128xf32>
    %reduce_sum3A_202 = arith.constant dense<0.000000e+00> : vector<128xf32>
    %reduce_sum3A_203 = vector.multi_reduction <add>, %div3A_201, %reduce_sum3A_202 [0] : vector<200x128xf32> to vector<128xf32>
    %broadcast_in_dim3A_204 = vector.shape_cast %reduce_sum3A_203 : vector<128xf32> to vector<1x128xf32>
    %add3A_205 = arith.addf %reshape3A_68, %mul3A_60 : vector<17x200x128xf32>
    %max3A_206 = arith.constant 0.000000e+00 : f32
    %max3A_207 = vector.broadcast %max3A_206 : f32 to vector<17x200x128xf32>
    %max3A_208 = arith.maximumf %add3A_205, %max3A_207 : vector<17x200x128xf32>
    %reshape3A_209 = vector.shape_cast %max3A_208 : vector<17x200x128xf32> to vector<3400x128xf32>
    %convert_element_type3A_210 = arith.truncf %reshape3A_209 : vector<3400x128xf32> to vector<3400x128xbf16>
    %convert_element_type3A_211 = arith.truncf %get3A_19 : vector<128x128xf32> to vector<128x128xbf16>
    %dot_general3A_212 = arith.constant dense<0.000000e+00> : vector<3400x128xf32>
    %dot_general3A_213 = tpu.matmul %convert_element_type3A_210, %convert_element_type3A_211, %dot_general3A_212 {dimension_numbers = #tpu.dot_dimension_numbers<[1], [0], [0], [1], [0, 0, 1, 1], [], []>, transpose_lhs_hint = false} : vector<3400x128xbf16>, vector<128x128xbf16>, vector<3400x128xf32> -> vector<3400x128xf32>
    %reshape3A_214 = vector.shape_cast %dot_general3A_213 : vector<3400x128xf32> to vector<17x200x128xf32>
    %reduce_max3A_215 = arith.constant dense<0xFF800000> : vector<200x128xf32>
    %reduce_max3A_216 = vector.multi_reduction <maximumf>, %reshape3A_214, %reduce_max3A_215 [0] : vector<17x200x128xf32> to vector<200x128xf32>
    %max3A_217 = arith.constant 0.000000e+00 : f32
    %max3A_218 = vector.broadcast %max3A_217 : f32 to vector<200x128xf32>
    %max3A_219 = arith.maximumf %reduce_max3A_216, %max3A_218 : vector<200x128xf32>
    %swap3A_220 = arith.constant 2 : index
    %swap3A_221 = arith.constant 0 : index
    %swap3A_222 = arith.constant 0 : index
    %swap3A_223 = vector.load %arg6[%swap3A_220, %swap3A_221, %swap3A_222] : memref<10x200x128xf32, #tpu.memory_space<vmem>>, vector<1x200x128xf32>
    %swap3A_224 = vector.shape_cast %swap3A_223 : vector<1x200x128xf32> to vector<200x128xf32>
    %swap3A_225 = vector.shape_cast %max3A_219 : vector<200x128xf32> to vector<1x200x128xf32>
    tpu.vector_store %arg6[%swap3A_220, %swap3A_221, %swap3A_222], %swap3A_225 {strides = array<i32>} : memref<10x200x128xf32, #tpu.memory_space<vmem>>, vector<1x200x128xf32>,
    %slice3A_226 = vector.extract_strided_slice %get3A_22 {offsets = [2, 0], sizes = [1, 128], strides = [1, 1]} : vector<16x128xf32> to vector<1x128xf32>
    %squeeze3A_227 = vector.shape_cast %slice3A_226 : vector<1x128xf32> to vector<128xf32>
    %broadcast_in_dim3A_228 = vector.shape_cast %squeeze3A_227 : vector<128xf32> to vector<1x1x128xf32>
    %ge3A_229 = arith.constant 0.000000e+00 : f32
    %ge3A_230 = vector.broadcast %ge3A_229 : f32 to vector<1x1x128xf32>
    %ge3A_231 = arith.cmpf oge, %broadcast_in_dim3A_228, %ge3A_230 : vector<1x1x128xf32>
    %broadcast_in_dim3A_232 = vector.shape_cast %ge3A_231 : vector<1x1x128xi1> to vector<1x1x128xi1>
    %broadcast_in_dim3A_233 = vector.broadcast %broadcast_in_dim3A_232 : vector<1x1x128xi1> to vector<1x200x128xi1>
    %select_n3A_234 = arith.select %broadcast_in_dim3A_233, %broadcast_in_dim3A_120, %broadcast_in_dim3A_122 : vector<1x200x128xi1>, vector<1x200x128xf32>
    %sub3A_235 = vector.broadcast %select_n3A_234 : vector<1x200x128xf32> to vector<17x200x128xf32>
    %sub3A_236 = arith.subf %max3A_62, %sub3A_235 : vector<17x200x128xf32>
    %mul3A_237 = vector.broadcast %broadcast_in_dim3A_228 : vector<1x1x128xf32> to vector<17x200x128xf32>
    %mul3A_238 = arith.mulf %mul3A_237, %sub3A_236 : vector<17x200x128xf32>
    %exp3A_239 = math.exp %mul3A_238 : vector<17x200x128xf32>
    %reduce_sum3A_240 = arith.constant dense<0.000000e+00> : vector<200x128xf32>
    %reduce_sum3A_241 = vector.multi_reduction <add>, %exp3A_239, %reduce_sum3A_240 [0] : vector<17x200x128xf32> to vector<200x128xf32>
    %mul3A_242 = arith.mulf %exp3A_239, %max3A_208 : vector<17x200x128xf32>
    %reduce_sum3A_243 = arith.constant dense<0.000000e+00> : vector<200x128xf32>
    %reduce_sum3A_244 = vector.multi_reduction <add>, %mul3A_242, %reduce_sum3A_243 [0] : vector<17x200x128xf32> to vector<200x128xf32>
    %div3A_245 = arith.divf %reduce_sum3A_244, %reduce_sum3A_241 : vector<200x128xf32>
    %reduce_sum3A_246 = arith.constant dense<0.000000e+00> : vector<128xf32>
    %reduce_sum3A_247 = vector.multi_reduction <add>, %div3A_245, %reduce_sum3A_246 [0] : vector<200x128xf32> to vector<128xf32>
    %broadcast_in_dim3A_248 = vector.shape_cast %reduce_sum3A_247 : vector<128xf32> to vector<1x128xf32>
    %add3A_249 = arith.addf %reshape3A_78, %sub3A_57 : vector<17x200x128xf32>
    %max3A_250 = arith.constant 0.000000e+00 : f32
    %max3A_251 = vector.broadcast %max3A_250 : f32 to vector<17x200x128xf32>
    %max3A_252 = arith.maximumf %add3A_249, %max3A_251 : vector<17x200x128xf32>
    %reshape3A_253 = vector.shape_cast %max3A_252 : vector<17x200x128xf32> to vector<3400x128xf32>
    %convert_element_type3A_254 = arith.truncf %reshape3A_253 : vector<3400x128xf32> to vector<3400x128xbf16>
    %convert_element_type3A_255 = arith.truncf %get3A_19 : vector<128x128xf32> to vector<128x128xbf16>
    %dot_general3A_256 = arith.constant dense<0.000000e+00> : vector<3400x128xf32>
    %dot_general3A_257 = tpu.matmul %convert_element_type3A_254, %convert_element_type3A_255, %dot_general3A_256 {dimension_numbers = #tpu.dot_dimension_numbers<[1], [0], [0], [1], [0, 0, 1, 1], [], []>, transpose_lhs_hint = false} : vector<3400x128xbf16>, vector<128x128xbf16>, vector<3400x128xf32> -> vector<3400x128xf32>
    %reshape3A_258 = vector.shape_cast %dot_general3A_257 : vector<3400x128xf32> to vector<17x200x128xf32>
    %reduce_max3A_259 = arith.constant dense<0xFF800000> : vector<200x128xf32>
    %reduce_max3A_260 = vector.multi_reduction <maximumf>, %reshape3A_258, %reduce_max3A_259 [0] : vector<17x200x128xf32> to vector<200x128xf32>
    %max3A_261 = arith.constant 0.000000e+00 : f32
    %max3A_262 = vector.broadcast %max3A_261 : f32 to vector<200x128xf32>
    %max3A_263 = arith.maximumf %reduce_max3A_260, %max3A_262 : vector<200x128xf32>
    %swap3A_264 = arith.constant 3 : index
    %swap3A_265 = arith.constant 0 : index
    %swap3A_266 = arith.constant 0 : index
    %swap3A_267 = vector.load %arg6[%swap3A_264, %swap3A_265, %swap3A_266] : memref<10x200x128xf32, #tpu.memory_space<vmem>>, vector<1x200x128xf32>
    %swap3A_268 = vector.shape_cast %swap3A_267 : vector<1x200x128xf32> to vector<200x128xf32>
    %swap3A_269 = vector.shape_cast %max3A_263 : vector<200x128xf32> to vector<1x200x128xf32>
    tpu.vector_store %arg6[%swap3A_264, %swap3A_265, %swap3A_266], %swap3A_269 {strides = array<i32>} : memref<10x200x128xf32, #tpu.memory_space<vmem>>, vector<1x200x128xf32>,
    %slice3A_270 = vector.extract_strided_slice %get3A_22 {offsets = [3, 0], sizes = [1, 128], strides = [1, 1]} : vector<16x128xf32> to vector<1x128xf32>
    %squeeze3A_271 = vector.shape_cast %slice3A_270 : vector<1x128xf32> to vector<128xf32>
    %broadcast_in_dim3A_272 = vector.shape_cast %squeeze3A_271 : vector<128xf32> to vector<1x1x128xf32>
    %ge3A_273 = arith.constant 0.000000e+00 : f32
    %ge3A_274 = vector.broadcast %ge3A_273 : f32 to vector<1x1x128xf32>
    %ge3A_275 = arith.cmpf oge, %broadcast_in_dim3A_272, %ge3A_274 : vector<1x1x128xf32>
    %broadcast_in_dim3A_276 = vector.shape_cast %ge3A_275 : vector<1x1x128xi1> to vector<1x1x128xi1>
    %broadcast_in_dim3A_277 = vector.broadcast %broadcast_in_dim3A_276 : vector<1x1x128xi1> to vector<1x200x128xi1>
    %select_n3A_278 = arith.select %broadcast_in_dim3A_277, %broadcast_in_dim3A_120, %broadcast_in_dim3A_122 : vector<1x200x128xi1>, vector<1x200x128xf32>
    %sub3A_279 = vector.broadcast %select_n3A_278 : vector<1x200x128xf32> to vector<17x200x128xf32>
    %sub3A_280 = arith.subf %max3A_62, %sub3A_279 : vector<17x200x128xf32>
    %mul3A_281 = vector.broadcast %broadcast_in_dim3A_272 : vector<1x1x128xf32> to vector<17x200x128xf32>
    %mul3A_282 = arith.mulf %mul3A_281, %sub3A_280 : vector<17x200x128xf32>
    %exp3A_283 = math.exp %mul3A_282 : vector<17x200x128xf32>
    %reduce_sum3A_284 = arith.constant dense<0.000000e+00> : vector<200x128xf32>
    %reduce_sum3A_285 = vector.multi_reduction <add>, %exp3A_283, %reduce_sum3A_284 [0] : vector<17x200x128xf32> to vector<200x128xf32>
    %mul3A_286 = arith.mulf %exp3A_283, %max3A_252 : vector<17x200x128xf32>
    %reduce_sum3A_287 = arith.constant dense<0.000000e+00> : vector<200x128xf32>
    %reduce_sum3A_288 = vector.multi_reduction <add>, %mul3A_286, %reduce_sum3A_287 [0] : vector<17x200x128xf32> to vector<200x128xf32>
    %div3A_289 = arith.divf %reduce_sum3A_288, %reduce_sum3A_285 : vector<200x128xf32>
    %reduce_sum3A_290 = arith.constant dense<0.000000e+00> : vector<128xf32>
    %reduce_sum3A_291 = vector.multi_reduction <add>, %div3A_289, %reduce_sum3A_290 [0] : vector<200x128xf32> to vector<128xf32>
    %broadcast_in_dim3A_292 = vector.shape_cast %reduce_sum3A_291 : vector<128xf32> to vector<1x128xf32>
    %add3A_293 = arith.addf %reshape3A_78, %mul3A_60 : vector<17x200x128xf32>
    %max3A_294 = arith.constant 0.000000e+00 : f32
    %max3A_295 = vector.broadcast %max3A_294 : f32 to vector<17x200x128xf32>
    %max3A_296 = arith.maximumf %add3A_293, %max3A_295 : vector<17x200x128xf32>
    %reshape3A_297 = vector.shape_cast %max3A_296 : vector<17x200x128xf32> to vector<3400x128xf32>
    %convert_element_type3A_298 = arith.truncf %reshape3A_297 : vector<3400x128xf32> to vector<3400x128xbf16>
    %convert_element_type3A_299 = arith.truncf %get3A_19 : vector<128x128xf32> to vector<128x128xbf16>
    %dot_general3A_300 = arith.constant dense<0.000000e+00> : vector<3400x128xf32>
    %dot_general3A_301 = tpu.matmul %convert_element_type3A_298, %convert_element_type3A_299, %dot_general3A_300 {dimension_numbers = #tpu.dot_dimension_numbers<[1], [0], [0], [1], [0, 0, 1, 1], [], []>, transpose_lhs_hint = false} : vector<3400x128xbf16>, vector<128x128xbf16>, vector<3400x128xf32> -> vector<3400x128xf32>
    %reshape3A_302 = vector.shape_cast %dot_general3A_301 : vector<3400x128xf32> to vector<17x200x128xf32>
    %reduce_max3A_303 = arith.constant dense<0xFF800000> : vector<200x128xf32>
    %reduce_max3A_304 = vector.multi_reduction <maximumf>, %reshape3A_302, %reduce_max3A_303 [0] : vector<17x200x128xf32> to vector<200x128xf32>
    %max3A_305 = arith.constant 0.000000e+00 : f32
    %max3A_306 = vector.broadcast %max3A_305 : f32 to vector<200x128xf32>
    %max3A_307 = arith.maximumf %reduce_max3A_304, %max3A_306 : vector<200x128xf32>
    %swap3A_308 = arith.constant 4 : index
    %swap3A_309 = arith.constant 0 : index
    %swap3A_310 = arith.constant 0 : index
    %swap3A_311 = vector.load %arg6[%swap3A_308, %swap3A_309, %swap3A_310] : memref<10x200x128xf32, #tpu.memory_space<vmem>>, vector<1x200x128xf32>
    %swap3A_312 = vector.shape_cast %swap3A_311 : vector<1x200x128xf32> to vector<200x128xf32>
    %swap3A_313 = vector.shape_cast %max3A_307 : vector<200x128xf32> to vector<1x200x128xf32>
    tpu.vector_store %arg6[%swap3A_308, %swap3A_309, %swap3A_310], %swap3A_313 {strides = array<i32>} : memref<10x200x128xf32, #tpu.memory_space<vmem>>, vector<1x200x128xf32>,
    %slice3A_314 = vector.extract_strided_slice %get3A_22 {offsets = [4, 0], sizes = [1, 128], strides = [1, 1]} : vector<16x128xf32> to vector<1x128xf32>
    %squeeze3A_315 = vector.shape_cast %slice3A_314 : vector<1x128xf32> to vector<128xf32>
    %broadcast_in_dim3A_316 = vector.shape_cast %squeeze3A_315 : vector<128xf32> to vector<1x1x128xf32>
    %ge3A_317 = arith.constant 0.000000e+00 : f32
    %ge3A_318 = vector.broadcast %ge3A_317 : f32 to vector<1x1x128xf32>
    %ge3A_319 = arith.cmpf oge, %broadcast_in_dim3A_316, %ge3A_318 : vector<1x1x128xf32>
    %broadcast_in_dim3A_320 = vector.shape_cast %ge3A_319 : vector<1x1x128xi1> to vector<1x1x128xi1>
    %broadcast_in_dim3A_321 = vector.broadcast %broadcast_in_dim3A_320 : vector<1x1x128xi1> to vector<1x200x128xi1>
    %select_n3A_322 = arith.select %broadcast_in_dim3A_321, %broadcast_in_dim3A_120, %broadcast_in_dim3A_122 : vector<1x200x128xi1>, vector<1x200x128xf32>
    %sub3A_323 = vector.broadcast %select_n3A_322 : vector<1x200x128xf32> to vector<17x200x128xf32>
    %sub3A_324 = arith.subf %max3A_62, %sub3A_323 : vector<17x200x128xf32>
    %mul3A_325 = vector.broadcast %broadcast_in_dim3A_316 : vector<1x1x128xf32> to vector<17x200x128xf32>
    %mul3A_326 = arith.mulf %mul3A_325, %sub3A_324 : vector<17x200x128xf32>
    %exp3A_327 = math.exp %mul3A_326 : vector<17x200x128xf32>
    %reduce_sum3A_328 = arith.constant dense<0.000000e+00> : vector<200x128xf32>
    %reduce_sum3A_329 = vector.multi_reduction <add>, %exp3A_327, %reduce_sum3A_328 [0] : vector<17x200x128xf32> to vector<200x128xf32>
    %mul3A_330 = arith.mulf %exp3A_327, %max3A_296 : vector<17x200x128xf32>
    %reduce_sum3A_331 = arith.constant dense<0.000000e+00> : vector<200x128xf32>
    %reduce_sum3A_332 = vector.multi_reduction <add>, %mul3A_330, %reduce_sum3A_331 [0] : vector<17x200x128xf32> to vector<200x128xf32>
    %div3A_333 = arith.divf %reduce_sum3A_332, %reduce_sum3A_329 : vector<200x128xf32>
    %reduce_sum3A_334 = arith.constant dense<0.000000e+00> : vector<128xf32>
    %reduce_sum3A_335 = vector.multi_reduction <add>, %div3A_333, %reduce_sum3A_334 [0] : vector<200x128xf32> to vector<128xf32>
    %broadcast_in_dim3A_336 = vector.shape_cast %reduce_sum3A_335 : vector<128xf32> to vector<1x128xf32>
    %add3A_337 = arith.addf %reshape3A_88, %mul3A_60 : vector<17x200x128xf32>
    %max3A_338 = arith.constant 0.000000e+00 : f32
    %max3A_339 = vector.broadcast %max3A_338 : f32 to vector<17x200x128xf32>
    %max3A_340 = arith.maximumf %add3A_337, %max3A_339 : vector<17x200x128xf32>
    %reshape3A_341 = vector.shape_cast %max3A_340 : vector<17x200x128xf32> to vector<3400x128xf32>
    %convert_element_type3A_342 = arith.truncf %reshape3A_341 : vector<3400x128xf32> to vector<3400x128xbf16>
    %convert_element_type3A_343 = arith.truncf %get3A_19 : vector<128x128xf32> to vector<128x128xbf16>
    %dot_general3A_344 = arith.constant dense<0.000000e+00> : vector<3400x128xf32>
    %dot_general3A_345 = tpu.matmul %convert_element_type3A_342, %convert_element_type3A_343, %dot_general3A_344 {dimension_numbers = #tpu.dot_dimension_numbers<[1], [0], [0], [1], [0, 0, 1, 1], [], []>, transpose_lhs_hint = false} : vector<3400x128xbf16>, vector<128x128xbf16>, vector<3400x128xf32> -> vector<3400x128xf32>
    %reshape3A_346 = vector.shape_cast %dot_general3A_345 : vector<3400x128xf32> to vector<17x200x128xf32>
    %reduce_max3A_347 = arith.constant dense<0xFF800000> : vector<200x128xf32>
    %reduce_max3A_348 = vector.multi_reduction <maximumf>, %reshape3A_346, %reduce_max3A_347 [0] : vector<17x200x128xf32> to vector<200x128xf32>
    %max3A_349 = arith.constant 0.000000e+00 : f32
    %max3A_350 = vector.broadcast %max3A_349 : f32 to vector<200x128xf32>
    %max3A_351 = arith.maximumf %reduce_max3A_348, %max3A_350 : vector<200x128xf32>
    %swap3A_352 = arith.constant 5 : index
    %swap3A_353 = arith.constant 0 : index
    %swap3A_354 = arith.constant 0 : index
    %swap3A_355 = vector.load %arg6[%swap3A_352, %swap3A_353, %swap3A_354] : memref<10x200x128xf32, #tpu.memory_space<vmem>>, vector<1x200x128xf32>
    %swap3A_356 = vector.shape_cast %swap3A_355 : vector<1x200x128xf32> to vector<200x128xf32>
    %swap3A_357 = vector.shape_cast %max3A_351 : vector<200x128xf32> to vector<1x200x128xf32>
    tpu.vector_store %arg6[%swap3A_352, %swap3A_353, %swap3A_354], %swap3A_357 {strides = array<i32>} : memref<10x200x128xf32, #tpu.memory_space<vmem>>, vector<1x200x128xf32>,
    %slice3A_358 = vector.extract_strided_slice %get3A_22 {offsets = [5, 0], sizes = [1, 128], strides = [1, 1]} : vector<16x128xf32> to vector<1x128xf32>
    %squeeze3A_359 = vector.shape_cast %slice3A_358 : vector<1x128xf32> to vector<128xf32>
    %broadcast_in_dim3A_360 = vector.shape_cast %squeeze3A_359 : vector<128xf32> to vector<1x1x128xf32>
    %ge3A_361 = arith.constant 0.000000e+00 : f32
    %ge3A_362 = vector.broadcast %ge3A_361 : f32 to vector<1x1x128xf32>
    %ge3A_363 = arith.cmpf oge, %broadcast_in_dim3A_360, %ge3A_362 : vector<1x1x128xf32>
    %broadcast_in_dim3A_364 = vector.shape_cast %ge3A_363 : vector<1x1x128xi1> to vector<1x1x128xi1>
    %broadcast_in_dim3A_365 = vector.broadcast %broadcast_in_dim3A_364 : vector<1x1x128xi1> to vector<1x200x128xi1>
    %select_n3A_366 = arith.select %broadcast_in_dim3A_365, %broadcast_in_dim3A_120, %broadcast_in_dim3A_122 : vector<1x200x128xi1>, vector<1x200x128xf32>
    %sub3A_367 = vector.broadcast %select_n3A_366 : vector<1x200x128xf32> to vector<17x200x128xf32>
    %sub3A_368 = arith.subf %max3A_62, %sub3A_367 : vector<17x200x128xf32>
    %mul3A_369 = vector.broadcast %broadcast_in_dim3A_360 : vector<1x1x128xf32> to vector<17x200x128xf32>
    %mul3A_370 = arith.mulf %mul3A_369, %sub3A_368 : vector<17x200x128xf32>
    %exp3A_371 = math.exp %mul3A_370 : vector<17x200x128xf32>
    %reduce_sum3A_372 = arith.constant dense<0.000000e+00> : vector<200x128xf32>
    %reduce_sum3A_373 = vector.multi_reduction <add>, %exp3A_371, %reduce_sum3A_372 [0] : vector<17x200x128xf32> to vector<200x128xf32>
    %mul3A_374 = arith.mulf %exp3A_371, %max3A_340 : vector<17x200x128xf32>
    %reduce_sum3A_375 = arith.constant dense<0.000000e+00> : vector<200x128xf32>
    %reduce_sum3A_376 = vector.multi_reduction <add>, %mul3A_374, %reduce_sum3A_375 [0] : vector<17x200x128xf32> to vector<200x128xf32>
    %div3A_377 = arith.divf %reduce_sum3A_376, %reduce_sum3A_373 : vector<200x128xf32>
    %reduce_sum3A_378 = arith.constant dense<0.000000e+00> : vector<128xf32>
    %reduce_sum3A_379 = vector.multi_reduction <add>, %div3A_377, %reduce_sum3A_378 [0] : vector<200x128xf32> to vector<128xf32>
    %broadcast_in_dim3A_380 = vector.shape_cast %reduce_sum3A_379 : vector<128xf32> to vector<1x128xf32>
    %add3A_381 = arith.addf %reshape3A_98, %sub3A_57 : vector<17x200x128xf32>
    %max3A_382 = arith.constant 0.000000e+00 : f32
    %max3A_383 = vector.broadcast %max3A_382 : f32 to vector<17x200x128xf32>
    %max3A_384 = arith.maximumf %add3A_381, %max3A_383 : vector<17x200x128xf32>
    %reshape3A_385 = vector.shape_cast %max3A_384 : vector<17x200x128xf32> to vector<3400x128xf32>
    %convert_element_type3A_386 = arith.truncf %reshape3A_385 : vector<3400x128xf32> to vector<3400x128xbf16>
    %convert_element_type3A_387 = arith.truncf %get3A_19 : vector<128x128xf32> to vector<128x128xbf16>
    %dot_general3A_388 = arith.constant dense<0.000000e+00> : vector<3400x128xf32>
    %dot_general3A_389 = tpu.matmul %convert_element_type3A_386, %convert_element_type3A_387, %dot_general3A_388 {dimension_numbers = #tpu.dot_dimension_numbers<[1], [0], [0], [1], [0, 0, 1, 1], [], []>, transpose_lhs_hint = false} : vector<3400x128xbf16>, vector<128x128xbf16>, vector<3400x128xf32> -> vector<3400x128xf32>
    %reshape3A_390 = vector.shape_cast %dot_general3A_389 : vector<3400x128xf32> to vector<17x200x128xf32>
    %reduce_max3A_391 = arith.constant dense<0xFF800000> : vector<200x128xf32>
    %reduce_max3A_392 = vector.multi_reduction <maximumf>, %reshape3A_390, %reduce_max3A_391 [0] : vector<17x200x128xf32> to vector<200x128xf32>
    %max3A_393 = arith.constant 0.000000e+00 : f32
    %max3A_394 = vector.broadcast %max3A_393 : f32 to vector<200x128xf32>
    %max3A_395 = arith.maximumf %reduce_max3A_392, %max3A_394 : vector<200x128xf32>
    %swap3A_396 = arith.constant 6 : index
    %swap3A_397 = arith.constant 0 : index
    %swap3A_398 = arith.constant 0 : index
    %swap3A_399 = vector.load %arg6[%swap3A_396, %swap3A_397, %swap3A_398] : memref<10x200x128xf32, #tpu.memory_space<vmem>>, vector<1x200x128xf32>
    %swap3A_400 = vector.shape_cast %swap3A_399 : vector<1x200x128xf32> to vector<200x128xf32>
    %swap3A_401 = vector.shape_cast %max3A_395 : vector<200x128xf32> to vector<1x200x128xf32>
    tpu.vector_store %arg6[%swap3A_396, %swap3A_397, %swap3A_398], %swap3A_401 {strides = array<i32>} : memref<10x200x128xf32, #tpu.memory_space<vmem>>, vector<1x200x128xf32>,
    %slice3A_402 = vector.extract_strided_slice %get3A_22 {offsets = [6, 0], sizes = [1, 128], strides = [1, 1]} : vector<16x128xf32> to vector<1x128xf32>
    %squeeze3A_403 = vector.shape_cast %slice3A_402 : vector<1x128xf32> to vector<128xf32>
    %broadcast_in_dim3A_404 = vector.shape_cast %squeeze3A_403 : vector<128xf32> to vector<1x1x128xf32>
    %ge3A_405 = arith.constant 0.000000e+00 : f32
    %ge3A_406 = vector.broadcast %ge3A_405 : f32 to vector<1x1x128xf32>
    %ge3A_407 = arith.cmpf oge, %broadcast_in_dim3A_404, %ge3A_406 : vector<1x1x128xf32>
    %broadcast_in_dim3A_408 = vector.shape_cast %ge3A_407 : vector<1x1x128xi1> to vector<1x1x128xi1>
    %broadcast_in_dim3A_409 = vector.broadcast %broadcast_in_dim3A_408 : vector<1x1x128xi1> to vector<1x200x128xi1>
    %select_n3A_410 = arith.select %broadcast_in_dim3A_409, %broadcast_in_dim3A_120, %broadcast_in_dim3A_122 : vector<1x200x128xi1>, vector<1x200x128xf32>
    %sub3A_411 = vector.broadcast %select_n3A_410 : vector<1x200x128xf32> to vector<17x200x128xf32>
    %sub3A_412 = arith.subf %max3A_62, %sub3A_411 : vector<17x200x128xf32>
    %mul3A_413 = vector.broadcast %broadcast_in_dim3A_404 : vector<1x1x128xf32> to vector<17x200x128xf32>
    %mul3A_414 = arith.mulf %mul3A_413, %sub3A_412 : vector<17x200x128xf32>
    %exp3A_415 = math.exp %mul3A_414 : vector<17x200x128xf32>
    %reduce_sum3A_416 = arith.constant dense<0.000000e+00> : vector<200x128xf32>
    %reduce_sum3A_417 = vector.multi_reduction <add>, %exp3A_415, %reduce_sum3A_416 [0] : vector<17x200x128xf32> to vector<200x128xf32>
    %mul3A_418 = arith.mulf %exp3A_415, %max3A_384 : vector<17x200x128xf32>
    %reduce_sum3A_419 = arith.constant dense<0.000000e+00> : vector<200x128xf32>
    %reduce_sum3A_420 = vector.multi_reduction <add>, %mul3A_418, %reduce_sum3A_419 [0] : vector<17x200x128xf32> to vector<200x128xf32>
    %div3A_421 = arith.divf %reduce_sum3A_420, %reduce_sum3A_417 : vector<200x128xf32>
    %reduce_sum3A_422 = arith.constant dense<0.000000e+00> : vector<128xf32>
    %reduce_sum3A_423 = vector.multi_reduction <add>, %div3A_421, %reduce_sum3A_422 [0] : vector<200x128xf32> to vector<128xf32>
    %broadcast_in_dim3A_424 = vector.shape_cast %reduce_sum3A_423 : vector<128xf32> to vector<1x128xf32>
    %add3A_425 = arith.addf %reshape3A_98, %mul3A_60 : vector<17x200x128xf32>
    %max3A_426 = arith.constant 0.000000e+00 : f32
    %max3A_427 = vector.broadcast %max3A_426 : f32 to vector<17x200x128xf32>
    %max3A_428 = arith.maximumf %add3A_425, %max3A_427 : vector<17x200x128xf32>
    %reshape3A_429 = vector.shape_cast %max3A_428 : vector<17x200x128xf32> to vector<3400x128xf32>
    %convert_element_type3A_430 = arith.truncf %reshape3A_429 : vector<3400x128xf32> to vector<3400x128xbf16>
    %convert_element_type3A_431 = arith.truncf %get3A_19 : vector<128x128xf32> to vector<128x128xbf16>
    %dot_general3A_432 = arith.constant dense<0.000000e+00> : vector<3400x128xf32>
    %dot_general3A_433 = tpu.matmul %convert_element_type3A_430, %convert_element_type3A_431, %dot_general3A_432 {dimension_numbers = #tpu.dot_dimension_numbers<[1], [0], [0], [1], [0, 0, 1, 1], [], []>, transpose_lhs_hint = false} : vector<3400x128xbf16>, vector<128x128xbf16>, vector<3400x128xf32> -> vector<3400x128xf32>
    %reshape3A_434 = vector.shape_cast %dot_general3A_433 : vector<3400x128xf32> to vector<17x200x128xf32>
    %reduce_max3A_435 = arith.constant dense<0xFF800000> : vector<200x128xf32>
    %reduce_max3A_436 = vector.multi_reduction <maximumf>, %reshape3A_434, %reduce_max3A_435 [0] : vector<17x200x128xf32> to vector<200x128xf32>
    %max3A_437 = arith.constant 0.000000e+00 : f32
    %max3A_438 = vector.broadcast %max3A_437 : f32 to vector<200x128xf32>
    %max3A_439 = arith.maximumf %reduce_max3A_436, %max3A_438 : vector<200x128xf32>
    %swap3A_440 = arith.constant 7 : index
    %swap3A_441 = arith.constant 0 : index
    %swap3A_442 = arith.constant 0 : index
    %swap3A_443 = vector.load %arg6[%swap3A_440, %swap3A_441, %swap3A_442] : memref<10x200x128xf32, #tpu.memory_space<vmem>>, vector<1x200x128xf32>
    %swap3A_444 = vector.shape_cast %swap3A_443 : vector<1x200x128xf32> to vector<200x128xf32>
    %swap3A_445 = vector.shape_cast %max3A_439 : vector<200x128xf32> to vector<1x200x128xf32>
    tpu.vector_store %arg6[%swap3A_440, %swap3A_441, %swap3A_442], %swap3A_445 {strides = array<i32>} : memref<10x200x128xf32, #tpu.memory_space<vmem>>, vector<1x200x128xf32>,
    %slice3A_446 = vector.extract_strided_slice %get3A_22 {offsets = [7, 0], sizes = [1, 128], strides = [1, 1]} : vector<16x128xf32> to vector<1x128xf32>
    %squeeze3A_447 = vector.shape_cast %slice3A_446 : vector<1x128xf32> to vector<128xf32>
    %broadcast_in_dim3A_448 = vector.shape_cast %squeeze3A_447 : vector<128xf32> to vector<1x1x128xf32>
    %ge3A_449 = arith.constant 0.000000e+00 : f32
    %ge3A_450 = vector.broadcast %ge3A_449 : f32 to vector<1x1x128xf32>
    %ge3A_451 = arith.cmpf oge, %broadcast_in_dim3A_448, %ge3A_450 : vector<1x1x128xf32>
    %broadcast_in_dim3A_452 = vector.shape_cast %ge3A_451 : vector<1x1x128xi1> to vector<1x1x128xi1>
    %broadcast_in_dim3A_453 = vector.broadcast %broadcast_in_dim3A_452 : vector<1x1x128xi1> to vector<1x200x128xi1>
    %select_n3A_454 = arith.select %broadcast_in_dim3A_453, %broadcast_in_dim3A_120, %broadcast_in_dim3A_122 : vector<1x200x128xi1>, vector<1x200x128xf32>
    %sub3A_455 = vector.broadcast %select_n3A_454 : vector<1x200x128xf32> to vector<17x200x128xf32>
    %sub3A_456 = arith.subf %max3A_62, %sub3A_455 : vector<17x200x128xf32>
    %mul3A_457 = vector.broadcast %broadcast_in_dim3A_448 : vector<1x1x128xf32> to vector<17x200x128xf32>
    %mul3A_458 = arith.mulf %mul3A_457, %sub3A_456 : vector<17x200x128xf32>
    %exp3A_459 = math.exp %mul3A_458 : vector<17x200x128xf32>
    %reduce_sum3A_460 = arith.constant dense<0.000000e+00> : vector<200x128xf32>
    %reduce_sum3A_461 = vector.multi_reduction <add>, %exp3A_459, %reduce_sum3A_460 [0] : vector<17x200x128xf32> to vector<200x128xf32>
    %mul3A_462 = arith.mulf %exp3A_459, %max3A_428 : vector<17x200x128xf32>
    %reduce_sum3A_463 = arith.constant dense<0.000000e+00> : vector<200x128xf32>
    %reduce_sum3A_464 = vector.multi_reduction <add>, %mul3A_462, %reduce_sum3A_463 [0] : vector<17x200x128xf32> to vector<200x128xf32>
    %div3A_465 = arith.divf %reduce_sum3A_464, %reduce_sum3A_461 : vector<200x128xf32>
    %reduce_sum3A_466 = arith.constant dense<0.000000e+00> : vector<128xf32>
    %reduce_sum3A_467 = vector.multi_reduction <add>, %div3A_465, %reduce_sum3A_466 [0] : vector<200x128xf32> to vector<128xf32>
    %broadcast_in_dim3A_468 = vector.shape_cast %reduce_sum3A_467 : vector<128xf32> to vector<1x128xf32>
    %add3A_469 = arith.addf %reshape3A_108, %mul3A_60 : vector<17x200x128xf32>
    %max3A_470 = arith.constant 0.000000e+00 : f32
    %max3A_471 = vector.broadcast %max3A_470 : f32 to vector<17x200x128xf32>
    %max3A_472 = arith.maximumf %add3A_469, %max3A_471 : vector<17x200x128xf32>
    %reshape3A_473 = vector.shape_cast %max3A_472 : vector<17x200x128xf32> to vector<3400x128xf32>
    %convert_element_type3A_474 = arith.truncf %reshape3A_473 : vector<3400x128xf32> to vector<3400x128xbf16>
    %convert_element_type3A_475 = arith.truncf %get3A_19 : vector<128x128xf32> to vector<128x128xbf16>
    %dot_general3A_476 = arith.constant dense<0.000000e+00> : vector<3400x128xf32>
    %dot_general3A_477 = tpu.matmul %convert_element_type3A_474, %convert_element_type3A_475, %dot_general3A_476 {dimension_numbers = #tpu.dot_dimension_numbers<[1], [0], [0], [1], [0, 0, 1, 1], [], []>, transpose_lhs_hint = false} : vector<3400x128xbf16>, vector<128x128xbf16>, vector<3400x128xf32> -> vector<3400x128xf32>
    %reshape3A_478 = vector.shape_cast %dot_general3A_477 : vector<3400x128xf32> to vector<17x200x128xf32>
    %reduce_max3A_479 = arith.constant dense<0xFF800000> : vector<200x128xf32>
    %reduce_max3A_480 = vector.multi_reduction <maximumf>, %reshape3A_478, %reduce_max3A_479 [0] : vector<17x200x128xf32> to vector<200x128xf32>
    %max3A_481 = arith.constant 0.000000e+00 : f32
    %max3A_482 = vector.broadcast %max3A_481 : f32 to vector<200x128xf32>
    %max3A_483 = arith.maximumf %reduce_max3A_480, %max3A_482 : vector<200x128xf32>
    %swap3A_484 = arith.constant 8 : index
    %swap3A_485 = arith.constant 0 : index
    %swap3A_486 = arith.constant 0 : index
    %swap3A_487 = vector.load %arg6[%swap3A_484, %swap3A_485, %swap3A_486] : memref<10x200x128xf32, #tpu.memory_space<vmem>>, vector<1x200x128xf32>
    %swap3A_488 = vector.shape_cast %swap3A_487 : vector<1x200x128xf32> to vector<200x128xf32>
    %swap3A_489 = vector.shape_cast %max3A_483 : vector<200x128xf32> to vector<1x200x128xf32>
    tpu.vector_store %arg6[%swap3A_484, %swap3A_485, %swap3A_486], %swap3A_489 {strides = array<i32>} : memref<10x200x128xf32, #tpu.memory_space<vmem>>, vector<1x200x128xf32>,
    %slice3A_490 = vector.extract_strided_slice %get3A_22 {offsets = [8, 0], sizes = [1, 128], strides = [1, 1]} : vector<16x128xf32> to vector<1x128xf32>
    %squeeze3A_491 = vector.shape_cast %slice3A_490 : vector<1x128xf32> to vector<128xf32>
    %broadcast_in_dim3A_492 = vector.shape_cast %squeeze3A_491 : vector<128xf32> to vector<1x1x128xf32>
    %ge3A_493 = arith.constant 0.000000e+00 : f32
    %ge3A_494 = vector.broadcast %ge3A_493 : f32 to vector<1x1x128xf32>
    %ge3A_495 = arith.cmpf oge, %broadcast_in_dim3A_492, %ge3A_494 : vector<1x1x128xf32>
    %broadcast_in_dim3A_496 = vector.shape_cast %ge3A_495 : vector<1x1x128xi1> to vector<1x1x128xi1>
    %broadcast_in_dim3A_497 = vector.broadcast %broadcast_in_dim3A_496 : vector<1x1x128xi1> to vector<1x200x128xi1>
    %select_n3A_498 = arith.select %broadcast_in_dim3A_497, %broadcast_in_dim3A_120, %broadcast_in_dim3A_122 : vector<1x200x128xi1>, vector<1x200x128xf32>
    %sub3A_499 = vector.broadcast %select_n3A_498 : vector<1x200x128xf32> to vector<17x200x128xf32>
    %sub3A_500 = arith.subf %max3A_62, %sub3A_499 : vector<17x200x128xf32>
    %mul3A_501 = vector.broadcast %broadcast_in_dim3A_492 : vector<1x1x128xf32> to vector<17x200x128xf32>
    %mul3A_502 = arith.mulf %mul3A_501, %sub3A_500 : vector<17x200x128xf32>
    %exp3A_503 = math.exp %mul3A_502 : vector<17x200x128xf32>
    %reduce_sum3A_504 = arith.constant dense<0.000000e+00> : vector<200x128xf32>
    %reduce_sum3A_505 = vector.multi_reduction <add>, %exp3A_503, %reduce_sum3A_504 [0] : vector<17x200x128xf32> to vector<200x128xf32>
    %mul3A_506 = arith.mulf %exp3A_503, %max3A_472 : vector<17x200x128xf32>
    %reduce_sum3A_507 = arith.constant dense<0.000000e+00> : vector<200x128xf32>
    %reduce_sum3A_508 = vector.multi_reduction <add>, %mul3A_506, %reduce_sum3A_507 [0] : vector<17x200x128xf32> to vector<200x128xf32>
    %div3A_509 = arith.divf %reduce_sum3A_508, %reduce_sum3A_505 : vector<200x128xf32>
    %reduce_sum3A_510 = arith.constant dense<0.000000e+00> : vector<128xf32>
    %reduce_sum3A_511 = vector.multi_reduction <add>, %div3A_509, %reduce_sum3A_510 [0] : vector<200x128xf32> to vector<128xf32>
    %broadcast_in_dim3A_512 = vector.shape_cast %reduce_sum3A_511 : vector<128xf32> to vector<1x128xf32>
    %add3A_513 = arith.addf %reshape3A_118, %mul3A_60 : vector<17x200x128xf32>
    %max3A_514 = arith.constant 0.000000e+00 : f32
    %max3A_515 = vector.broadcast %max3A_514 : f32 to vector<17x200x128xf32>
    %max3A_516 = arith.maximumf %add3A_513, %max3A_515 : vector<17x200x128xf32>
    %reshape3A_517 = vector.shape_cast %max3A_516 : vector<17x200x128xf32> to vector<3400x128xf32>
    %convert_element_type3A_518 = arith.truncf %reshape3A_517 : vector<3400x128xf32> to vector<3400x128xbf16>
    %convert_element_type3A_519 = arith.truncf %get3A_19 : vector<128x128xf32> to vector<128x128xbf16>
    %dot_general3A_520 = arith.constant dense<0.000000e+00> : vector<3400x128xf32>
    %dot_general3A_521 = tpu.matmul %convert_element_type3A_518, %convert_element_type3A_519, %dot_general3A_520 {dimension_numbers = #tpu.dot_dimension_numbers<[1], [0], [0], [1], [0, 0, 1, 1], [], []>, transpose_lhs_hint = false} : vector<3400x128xbf16>, vector<128x128xbf16>, vector<3400x128xf32> -> vector<3400x128xf32>
    %reshape3A_522 = vector.shape_cast %dot_general3A_521 : vector<3400x128xf32> to vector<17x200x128xf32>
    %reduce_max3A_523 = arith.constant dense<0xFF800000> : vector<200x128xf32>
    %reduce_max3A_524 = vector.multi_reduction <maximumf>, %reshape3A_522, %reduce_max3A_523 [0] : vector<17x200x128xf32> to vector<200x128xf32>
    %max3A_525 = arith.constant 0.000000e+00 : f32
    %max3A_526 = vector.broadcast %max3A_525 : f32 to vector<200x128xf32>
    %max3A_527 = arith.maximumf %reduce_max3A_524, %max3A_526 : vector<200x128xf32>
    %swap3A_528 = arith.constant 9 : index
    %swap3A_529 = arith.constant 0 : index
    %swap3A_530 = arith.constant 0 : index
    %swap3A_531 = vector.load %arg6[%swap3A_528, %swap3A_529, %swap3A_530] : memref<10x200x128xf32, #tpu.memory_space<vmem>>, vector<1x200x128xf32>
    %swap3A_532 = vector.shape_cast %swap3A_531 : vector<1x200x128xf32> to vector<200x128xf32>
    %swap3A_533 = vector.shape_cast %max3A_527 : vector<200x128xf32> to vector<1x200x128xf32>
    tpu.vector_store %arg6[%swap3A_528, %swap3A_529, %swap3A_530], %swap3A_533 {strides = array<i32>} : memref<10x200x128xf32, #tpu.memory_space<vmem>>, vector<1x200x128xf32>,
    %slice3A_534 = vector.extract_strided_slice %get3A_22 {offsets = [9, 0], sizes = [1, 128], strides = [1, 1]} : vector<16x128xf32> to vector<1x128xf32>
    %squeeze3A_535 = vector.shape_cast %slice3A_534 : vector<1x128xf32> to vector<128xf32>
    %broadcast_in_dim3A_536 = vector.shape_cast %squeeze3A_535 : vector<128xf32> to vector<1x1x128xf32>
    %ge3A_537 = arith.constant 0.000000e+00 : f32
    %ge3A_538 = vector.broadcast %ge3A_537 : f32 to vector<1x1x128xf32>
    %ge3A_539 = arith.cmpf oge, %broadcast_in_dim3A_536, %ge3A_538 : vector<1x1x128xf32>
    %broadcast_in_dim3A_540 = vector.shape_cast %ge3A_539 : vector<1x1x128xi1> to vector<1x1x128xi1>
    %broadcast_in_dim3A_541 = vector.broadcast %broadcast_in_dim3A_540 : vector<1x1x128xi1> to vector<1x200x128xi1>
    %select_n3A_542 = arith.select %broadcast_in_dim3A_541, %broadcast_in_dim3A_120, %broadcast_in_dim3A_122 : vector<1x200x128xi1>, vector<1x200x128xf32>
    %sub3A_543 = vector.broadcast %select_n3A_542 : vector<1x200x128xf32> to vector<17x200x128xf32>
    %sub3A_544 = arith.subf %max3A_62, %sub3A_543 : vector<17x200x128xf32>
    %mul3A_545 = vector.broadcast %broadcast_in_dim3A_536 : vector<1x1x128xf32> to vector<17x200x128xf32>
    %mul3A_546 = arith.mulf %mul3A_545, %sub3A_544 : vector<17x200x128xf32>
    %exp3A_547 = math.exp %mul3A_546 : vector<17x200x128xf32>
    %reduce_sum3A_548 = arith.constant dense<0.000000e+00> : vector<200x128xf32>
    %reduce_sum3A_549 = vector.multi_reduction <add>, %exp3A_547, %reduce_sum3A_548 [0] : vector<17x200x128xf32> to vector<200x128xf32>
    %mul3A_550 = arith.mulf %exp3A_547, %max3A_516 : vector<17x200x128xf32>
    %reduce_sum3A_551 = arith.constant dense<0.000000e+00> : vector<200x128xf32>
    %reduce_sum3A_552 = vector.multi_reduction <add>, %mul3A_550, %reduce_sum3A_551 [0] : vector<17x200x128xf32> to vector<200x128xf32>
    %div3A_553 = arith.divf %reduce_sum3A_552, %reduce_sum3A_549 : vector<200x128xf32>
    %reduce_sum3A_554 = arith.constant dense<0.000000e+00> : vector<128xf32>
    %reduce_sum3A_555 = vector.multi_reduction <add>, %div3A_553, %reduce_sum3A_554 [0] : vector<200x128xf32> to vector<128xf32>
    %broadcast_in_dim3A_556 = vector.shape_cast %reduce_sum3A_555 : vector<128xf32> to vector<1x128xf32>
    %broadcast_in_dim3A_557 = arith.constant 0.000000e+00 : f32
    %broadcast_in_dim3A_558 = vector.broadcast %broadcast_in_dim3A_557 : f32 to vector<6x128xf32>
    %concatenate3A = tpu.concatenate %broadcast_in_dim3A_160, %broadcast_in_dim3A_204, %broadcast_in_dim3A_248, %broadcast_in_dim3A_292, %broadcast_in_dim3A_336, %broadcast_in_dim3A_380, %broadcast_in_dim3A_424, %broadcast_in_dim3A_468, %broadcast_in_dim3A_512, %broadcast_in_dim3A_556, %broadcast_in_dim3A_558 in 0 : vector<1x128xf32>, vector<1x128xf32>, vector<1x128xf32>, vector<1x128xf32>, vector<1x128xf32>, vector<1x128xf32>, vector<1x128xf32>, vector<1x128xf32>, vector<1x128xf32>, vector<1x128xf32>, vector<6x128xf32> -> vector<16x128xf32>
    %eq3A = arith.constant 0 : i32
    %eq3A_559 = arith.cmpi eq, %arg0, %eq3A : i32
    %convert_element_type3A_560 = arith.extui %eq3A_559 : i1 to i32
    %cond3A = arith.constant 0 : i32
    %cond3A_561 = arith.cmpi ne, %convert_element_type3A_560, %cond3A : i32
    scf.if %cond3A_561 {
      %swap3A_566 = arith.constant 0 : index
      %swap3A_567 = arith.constant 0 : index
      %swap3A_568 = vector.load %arg7[%swap3A_566, %swap3A_567] : memref<16x128xf32, #tpu.memory_space<vmem>>, vector<16x128xf32>
      tpu.vector_store %arg7[%swap3A_566, %swap3A_567], %concatenate3A {strides = array<i32>} : memref<16x128xf32, #tpu.memory_space<vmem>>, vector<16x128xf32>,
    } else {
    }
    %ne3A = arith.constant 0 : i32
    %ne3A_562 = arith.cmpi ne, %arg0, %ne3A : i32
    %convert_element_type3A_563 = arith.extui %ne3A_562 : i1 to i32
    %cond3A_564 = arith.constant 0 : i32
    %cond3A_565 = arith.cmpi ne, %convert_element_type3A_563, %cond3A_564 : i32
    scf.if %cond3A_565 {
      %get3A_566 = arith.constant 0 : index
      %get3A_567 = arith.constant 0 : index
      %get3A_568 = vector.load %arg7[%get3A_566, %get3A_567] : memref<16x128xf32, #tpu.memory_space<vmem>>, vector<16x128xf32>
      %add3A_569 = arith.addf %get3A_568, %concatenate3A : vector<16x128xf32>
      %swap3A_570 = arith.constant 0 : index
      %swap3A_571 = arith.constant 0 : index
      %swap3A_572 = vector.load %arg7[%swap3A_570, %swap3A_571] : memref<16x128xf32, #tpu.memory_space<vmem>>, vector<16x128xf32>
      tpu.vector_store %arg7[%swap3A_570, %swap3A_571], %add3A_569 {strides = array<i32>} : memref<16x128xf32, #tpu.memory_space<vmem>>, vector<16x128xf32>,
    } else {
    }
    return
  }
  func.func @transform_0(%arg0: i32) -> (i32, i32, i32, i32) {
    %c0_i32 = arith.constant 0 : i32
    %c0_i32_0 = arith.constant 0 : i32
    %c0_i32_1 = arith.constant 0 : i32
    %c0_i32_2 = arith.constant 0 : i32
    return %c0_i32, %c0_i32_0, %arg0, %c0_i32_1 : i32, i32, i32, i32
  }
  func.func @transform_1(%arg0: i32) -> (i32, i32) {
    %c0_i32 = arith.constant 0 : i32
    %c0_i32_0 = arith.constant 0 : i32
    %c0_i32_1 = arith.constant 0 : i32
    return %c0_i32, %c0_i32_0 : i32, i32
  }
  func.func @transform_2(%arg0: i32) -> (i32, i32) {
    %c0_i32 = arith.constant 0 : i32
    %c0_i32_0 = arith.constant 0 : i32
    %c0_i32_1 = arith.constant 0 : i32
    return %c0_i32, %c0_i32_0 : i32, i32
  }
  func.func @transform_3(%arg0: i32) -> (i32, i32) {
    %c0_i32 = arith.constant 0 : i32
    %c0_i32_0 = arith.constant 0 : i32
    %c0_i32_1 = arith.constant 0 : i32
    return %c0_i32, %c0_i32_0 : i32, i32
  }
  func.func @transform_4(%arg0: i32) -> (i32, i32) {
    %c0_i32 = arith.constant 0 : i32
    %c0_i32_0 = arith.constant 0 : i32
    %c0_i32_1 = arith.constant 0 : i32
    return %c0_i32, %c0_i32_0 : i32, i32
  }
  func.func @transform_5(%arg0: i32) -> (i32, i32, i32) {
    %c0_i32 = arith.constant 0 : i32
    %c0_i32_0 = arith.constant 0 : i32
    %c0_i32_1 = arith.constant 0 : i32
    return %c0_i32, %arg0, %c0_i32_0 : i32, i32, i32
  }
  func.func @transform_6(%arg0: i32) -> (i32, i32) {
    %c0_i32 = arith.constant 0 : i32
    %c0_i32_0 = arith.constant 0 : i32
    %c0_i32_1 = arith.constant 0 : i32
    return %c0_i32, %c0_i32_0 : i32, i32
  }
}

</mosaic_0001>

<sc_bundles>
// kernel: kernel.6.cloned.1.call-start
scs
__scs_entry_jumppad:
0x0: {  	(pc) =	sbr.rel $0x88, $3  }
0x1: {  	(tag) =	ssettag $0x0;
	lr =	simm.s32 $0x1  }
0x2: {  	[smem:$0x3F9C] =	sst lr;
	_ =	strace $0xD0000000  }
0x3: {  	_ = 	snop  }
0x4: {  	_ = 	snop  }
0x5: {  	_ = 	snop  }
0x6: {  	_ = 	snop  }
0x7: {  	_ = 	snop  }
__scs_overlays_trampoline_lowered:
0x8: {  	[smem:$0x3FAB] =	sst s0  }
0x9: {  	[smem:$0x3FAC] =	sst s1  }
0xa: {  	[smem:$0x3FAD] =	sst s2  }
0xb: {  	[smem:$0x3FAE] =	sst s3  }
0xc: {  	[smem:$0x3FAF] =	sst s4  }
0xd: {  	[smem:$0x3FB0] =	sst s5  }
0xe: {  	[smem:$0x3FB1] =	sst s6  }
0xf: {  	[smem:$0x3FB2] =	sst s7  }
0x10: {  	[smem:$0x3FB3] =	sst s8  }
0x11: {  	[smem:$0x3FB4] =	sst s9;
	s0 =	simm.s32 @!p0 $0x0  }
0x12: {  	s1 =	sld [smem:$0x3F9A];
	s0 =	simm.s32 @p0 $0x1  }
0x13: {  	[smem:$0x3FB5] =	sst s0;
	s0 =	simm.s32 @!p1 $0x0  }
0x14: {  	s2 =	sld [smem:$0x3F99];
	s0 =	simm.s32 @p1 $0x1  }
0x15: {  	[smem:$0x3FB6] =	sst s0;
	s0 =	simm.s32 @!p2 $0x0  }
0x16: {  	s3 =	sld [smem:$0x3FDB];
	s0 =	simm.s32 @p2 $0x1  }
0x17: {  	s4 =	simm.s32 $0x1BF5;
	[smem:$0x3FB8] =	sst s0  }
0x18: {  	s0 =	sld [smem:$0x3F9B];
	_ =	swait.ge [sflag:s4], $0x0  }
0x19: {  	s7 =	sld [smem:$0x3F9C]  }
0x1a: {  	s8 =	sadd.s32 $0xFFFFE003, lr  }
0x1b: {  	s9 =	sadd.s32 $0xFFFFFEF7, lr;
	s5 =	simm.s32 $0xFFFFFFFF;
	p2 =	slt.u32 s8, $0xFFFFF086  }
0x1c: {  	p1 =	slt.u32 s9, $0xF7A;
	s5 =	simm.s32 @!p2 $0x0  }
0x1d: {  	s5 =	simm.s32 @p1 $0x1;
	p0 =	seq.s32 s7, s2  }
0x1e: {  	s7 =	smul.u32 @!p0 $0xF7A, s2;
	p2 =	seq.s32 @!p0 s5, $0x0  }
0x1f: {  	s9 =	smul.u32 $0xF7A, s1;
	s8 =	simm.s32 @!p0 $0x1BF5;
	p2 =	por !p2, p0  }
0x20: {  	[sflag:s8] =	ssyncset.s32 @!p0 $0xFFFFF086;
	s6 =	sadd.s32 @!p0 s3, s7;
	s7 =	simm.s32 @!p0 $0x108  }
0x21: {  	s3 =	sadd.s32 s3, s9;
	s6 =	sadd.s32 @!p0 $0x88, s6;
	s7 =	simm.s32 @p2 $0x1082  }
0x22: {  	[simem:s7], [sflag:s8] =	dma.local @!p0 [hbm:s6], $0xF7A  }
0x23: {  	s9 =	sor.u32 $0xD0000000, s2;
	s6 =	simm.s32 $0x108;
	_ =	swait.ge @!p0 [sflag:s8], $0x0  }
0x24: {  	s3 =	sadd.s32 $0x88, s3;
	s6 =	simm.s32 @!p1 $0x1082;
	[sflag:s4] =	ssyncset.s32 $0xFFFFF086  }
0x25: {  	[simem:s6], [sflag:s4] =	dma.local [hbm:s3], $0xF7A  }
0x26: {  	[smem:$0x3F9C] =	sst s1;
	(tag) =	ssettag s2;
	_ =	strace s9  }
0x27: {  	s1 =	sld [smem:$0x3FAC]  }
0x28: {  	s2 =	sld [smem:$0x3FAD]  }
0x29: {  	s4 =	sld [smem:$0x3FAF]  }
0x2a: {  	p0 =	seq.s32 s5, $0x0;
	s5 =	sld [smem:$0x3FB0]  }
0x2b: {  	s6 =	sld [smem:$0x3FB1]  }
0x2c: {  	s7 =	sld [smem:$0x3FB2]  }
0x2d: {  	s3 =	simm.s32 $0x108;
	s8 =	sld [smem:$0x3FB3]  }
0x2e: {  	s3 =	simm.s32 @!p0 $0x1082;
	s9 =	sld [smem:$0x3FB4]  }
0x2f: {  	lr =	sadd.s32 s0, s3;
	s0 =	sld [smem:$0x3FAB]  }
0x30: {  	s3 =	sld [smem:$0x3FAE]  }
0x31: {  	[smem:$0x3FB7] =	sst s10  }
0x32: {  	s10 =	sld [smem:$0x3FB5];
	_ =	sdelay $0x3  }
0x33: {  	p0 =	seq.s32 s10, $0x1;
	s10 =	sld [smem:$0x3FB7];
	_ =	sdelay $0x3  }
0x34: {  	[smem:$0x3FB7] =	sst s10  }
0x35: {  	s10 =	sld [smem:$0x3FB6];
	_ =	sdelay $0x3  }
0x36: {  	p1 =	seq.s32 s10, $0x1;
	s10 =	sld [smem:$0x3FB7];
	_ =	sdelay $0x3  }
0x37: {  	[smem:$0x3FB7] =	sst s10  }
0x38: {  	s10 =	sld [smem:$0x3FB8]  }
0x39: {  	_ = 	snop;
	(pc) =	sbr.ind lr, $3  }
0x3a: {  	_ = 	snop  }
0x3b: {  	_ = 	snop  }
0x3c: {  	p2 =	seq.s32 s10, $0x1;
	s10 =	sld [smem:$0x3FB7]  }
0x3d: {  	_ =	shalt  }
0x3e: {  	_ =	shalt  }
0x3f: {  	_ =	shalt  }
0x40: {  	_ =	shalt  }
0x41: {  	_ =	shalt  }
0x42: {  	_ =	shalt  }
0x43: {  	_ =	shalt  }
0x44: {  	_ =	shalt  }
0x45: {  	_ =	shalt  }
0x46: {  	_ =	shalt  }
0x47: {  	_ =	shalt  }
0x48: {  	_ =	shalt  }
0x49: {  	_ =	shalt  }
0x4a: {  	_ =	shalt  }
0x4b: {  	_ =	shalt  }
0x4c: {  	_ =	shalt  }
0x4d: {  	_ =	shalt  }
0x4e: {  	_ =	shalt  }
0x4f: {  	_ =	shalt  }
0x50: {  	_ =	shalt  }
0x51: {  	_ =	shalt  }
0x52: {  	_ =	shalt  }
0x53: {  	_ =	shalt  }
0x54: {  	_ =	shalt  }
0x55: {  	_ =	shalt  }
0x56: {  	_ =	shalt  }
0x57: {  	_ =	shalt  }
0x58: {  	_ =	shalt  }
0x59: {  	_ =	shalt  }
0x5a: {  	_ =	shalt  }
0x5b: {  	_ =	shalt  }
0x5c: {  	_ =	shalt  }
0x5d: {  	_ =	shalt  }
0x5e: {  	_ =	shalt  }
0x5f: {  	_ =	shalt  }
0x60: {  	_ =	shalt  }
0x61: {  	_ =	shalt  }
0x62: {  	_ =	shalt  }
0x63: {  	_ =	shalt  }
0x64: {  	_ =	shalt  }
0x65: {  	_ =	shalt  }
0x66: {  	_ =	shalt  }
0x67: {  	_ =	shalt  }
0x68: {  	_ =	shalt  }
0x69: {  	_ =	shalt  }
0x6a: {  	_ =	shalt  }
0x6b: {  	_ =	shalt  }
0x6c: {  	_ =	shalt  }
0x6d: {  	_ =	shalt  }
0x6e: {  	_ =	shalt  }
0x6f: {  	_ =	shalt  }
0x70: {  	_ =	shalt  }
0x71: {  	_ =	shalt  }
0x72: {  	_ =	shalt  }
0x73: {  	_ =	shalt  }
0x74: {  	_ =	shalt  }
0x75: {  	_ =	shalt  }
0x76: {  	_ =	shalt  }
0x77: {  	_ =	shalt  }
0x78: {  	_ =	shalt  }
0x79: {  	_ =	shalt  }
0x7a: {  	_ =	shalt  }
0x7b: {  	_ =	shalt  }
0x7c: {  	_ =	shalt  }
0x7d: {  	_ =	shalt  }
0x7e: {  	_ =	shalt  }
0x7f: {  	_ =	shalt  }
0x80: {  	_ =	shalt  }
0x81: {  	_ =	shalt  }
0x82: {  	_ =	shalt  }
0x83: {  	_ =	shalt  }
0x84: {  	_ =	shalt  }
0x85: {  	_ =	shalt  }
0x86: {  	_ =	shalt  }
0x87: {  	_ =	shalt  }
.Lfunc_end0:
.L_simem_size_0:
called_computation_lowered:
.L_overlay_start_0:
0x88: {  	s2 =	sld [smem:$0x3FD9]  }
0x89: {  	s3 =	sld [smem:$0x3FFE];
	_ =	sdelay $0x1  }
0x8a: {  	s1 =	srdreg.scid  }
0x8b: {  	s0 =	sand.u32 $0x1, s1  }
0x8c: {  	s17 =	sshll.u32 s0, $0xA;
	s2 =	sadd.s32 s3, s2  }
0x8d: {  	s2 =	sadd.s32 s2, s17  }
0x8e: {  	[smem:$0x3FC3] =	sst s2  }
0x8f: {  	_ = 	snop  }
0x90: {  	s2 =	sld [smem:$0x3FC9];
	(tm) =	ssettm $0x1  }
0x91: {  	s18 =	sld [smem:$0x3FFB];
	_ =	sdelay $0x3  }
0x92: {  	_ =	strace s18  }
0x93: {  	s3 =	sld [smem:$0x3FFC];
	_ =	sdelay $0x3  }
0x94: {  	_ =	strace s3  }
0x95: {  	s3 =	sld [smem:$0x3FFD];
	_ =	sdelay $0x3  }
0x96: {  	_ =	strace s3  }
0x97: {  	_ =	strace $0x8FFFFFFF  }
0x98: {  	s19 =	sld [smem:$0x3FDB];
	_ =	sdelay $0x1  }
0x99: {  	s4 =	simm.s32 $_scs_section_size  }
0x9a: {  	s5 =	simm.s32 $_size__tile_overlayer_lowered;
	s6 =	simm.s32 $_tile_overlayer_lowered  }
0x9b: {  	s22 =	simm.s32 $0x1BFF;
	s21 =	sshll.u32 s6, $0x1;
	s3 =	sadd.s32 s4, s19  }
0x9c: {  	s7 =	simm.s32 $0x0;
	s20 =	sshll.u32 s5, $0x1;
	s5 =	sadd.s32 s21, s3  }
0x9d: {  	[timem:s7], [sflag:s22] =	dma.local [hbm:s5], s20  }
0x9e: {  	_ =	swait.ge [sflag:s22], s20  }
0x9f: {  	s4 =	ssub.s32 $0x0, s20;
	[sflag:s22] =	ssyncset.done $0x0  }
0xa0: {  	[sflag:s22] =	ssyncadd.s32 s4;
	_ =	sdelay $0x1  }
0xa1: {  	s23 =	simm.s32 $0x1B8B  }
0xa2: {  	_ =	swait.ge [sflag:s23], $0x1  }
0xa3: {  	[sflag:s23] =	ssyncset.done $0x0  }
0xa4: {  	s25 =	simm.s32 $0x1B8E;
	s24 =	sld [smem:$0x3FFE];
	[sflag:s23] =	ssyncadd.s32 $0xFFFFFFFF  }
0xa5: {  	s26 =	simm.s32 $execute0_lowered;
	[smem:$0x3FD2] =	sst s25  }
0xa6: {  	s5 =	sshll.u32 s26, $0x1;
	_ =	strace $0x80000046;
	[dreg:$0x1] =	wrdreg $0xFFFFFFFF  }
0xa7: {  	s28 =	simm.s32 $_size_execute0_lowered;
	s3 =	sadd.s32 s3, s5;
	[dreg:$0x0] =	wrdreg $0x0  }
0xa8: {  	s5 =	sshll.u32 s28, $0x1;
	[dreg:$0x2] =	wrdreg s3  }
0xa9: {  	[dreg:$0x3] =	wrdreg s5  }
0xaa: {  	[dreg:$0x4] =	wrdreg $0xC0  }
0xab: {  	_ =	task [dreg:s7], $0x5FFFF  }
0xac: {  	[dreg:$0x1] =	wrdreg $0xFFFFFFFF  }
0xad: {  	[dreg:$0x0] =	wrdreg $0x60  }
0xae: {  	[dreg:$0x2] =	wrdreg s2  }
0xaf: {  	[dreg:$0x3] =	wrdreg s24  }
0xb0: {  	[dreg:$0x4] =	wrdreg $0x9  }
0xb1: {  	_ =	task.clear_ibuf [dreg:s7], $0x5FFFF;
	_ =	strace $0x90000046  }
0xb2: {  	s29 =	simm.s32 $0x9;
	_ =	strace $0x80000048  }
0xb3: {  	_ =	swait.ge [sflag:s29], $0x1  }
0xb4: {  	[sflag:s29] =	ssyncadd.s32 $0xFFFFFFFF  }
0xb5: {  	_ =	strace $0x90000048  }
0xb6: {  	_ =	sfence  }
0xb7: {  	s30 =	sld [smem:$0x0];
	_ =	sdelay $0x2  }
0xb8: {  	s31 =	sshll.u32 s1, $0xD;
	s1 =	sshrl.u32 s1, $0x2  }
0xb9: {  	s3 =	sand.u32 $0x4000, s31;
	s1 =	sadd.s32 s1, s30  }
0xba: {  	s0 =	sor.u32 s3, s0;
	s1 =	sshll.u32 s1, $0x11  }
0xbb: {  	s0 =	sor.u32 s1, s0  }
0xbc: {  	s0 =	sadd.s32 $0x8F2B, s0  }
0xbd: {  	[sflag:s0] =	ssyncadd.remote.s32 $0x1  }
0xbe: {  	_ =	sfence.sel $0xFFFF  }
0xbf: {  	[dreg:$0x0] =	wrdreg $0xFFFFFFFF;
	(pc) =	sbr.abs _section_cstart, $3  }
0xc0: {  	[dreg:$0x1] =	wrdreg $0xFFFFFFFF  }
0xc1: {  	_ =	task.clear_ibuf [dreg:s7], $0x2FFFF;
	_ =	strace $0x9FFFFFFF  }
0xc2: {  	(tm) =	ssettm $0x7FFFFFFF  }
0xc3: {  	_ =	shalt  }
tec
execute0_lowered:
.L_overlay_start_1:
0x0: {  	(tag) =	ssettag $0x1  }
0x1: {  	s2 =	rddreg [dreg:$0x0]  }
0x2: {  	s0 =	rddreg [dreg:$0x1]  }
0x3: {  	s3 =	srdreg.scid;
	s1 =	stileid.u32;
	s15 =	simm.s32 $0x300  }
0x4: {  	s16 =	simm.s32 $0x4300;
	s17 =	simm.s32 $0x100;
	s18 =	simm.s32 $0x8300  }
0x5: {  	s19 =	simm.s32 $0x180;
	s20 =	simm.s32 $0x1;
	s21 =	simm.s32 $0xC300  }
0x6: {  	s22 =	simm.s32 $0x200;
	s28 =	simm.s32 $0x2;
	s29 =	simm.s32 $0x4  }
0x7: {  	s30 =	simm.s32 $0x0;
	s9 =	sand.u32 $0x1, s3;
	s12 =	smul.u32 $0x2A00, s1  }
0x8: {  	s4 =	sshll.u32 s1, $0x1;
	s3 =	simm.s32 $0x0;
	s14 =	smul.u32 $0x2A000, s1  }
0x9: {  	s10 =	sadd.s32 $0x5400, s0;
	s5 =	ssub.s32 $0x2, s9;
	s13 =	smul.u32 $0x1500, s9  }
0xa: {  	s4 =	sor.u32 s9, s4;
	[smem:$0x7FF] =	sst s3;
	s26 =	smul.u32 $0x15000, s9  }
0xb: {  	s6 =	sshrl.u32 s5, $0x1;
	s7 =	smul.u32 $0x1500, s4;
	_ =	strace $0x80000047  }
0xc: {  	s24 =	smul.u32 $0x15000, s4;
	s5 =	ssub.s32 s5, s6;
	s12 =	sadd.s32 s13, s12  }
0xd: {  	s23 =	sshrl.u32 s7, $0x3;
	s11 =	sadd.s32 $0x180, s7;
	s5 =	smax.u32 s5, $0x1  }
0xe: {  	s7 =	sadd.s32 s10, s24;
	s31 =	sadd.s32 $0x600, s12;
	s12 =	sadd.s32 $0x480, s12  }
0xf: {  	s24 =	simm.s32 $0x280;
	s4 =	sadd.s32 s0, s23;
	s25 =	sshrl.u32 s11, $0x3  }
0x10: {  	[dreg:$0x3] =	wrdreg s5;
	s11 =	sshll.u32 s11, $0x4;
	s12 =	sshrl.u32 s12, $0x3  }
.Ltmp0:
0x11: {  	s23 =	simm.s32 $0x10300;
	s6 =	sadd.s32 s0, s25;
	(pc) =	sbr.rel .LBB2_1-.Ltmp0, $4  }
0x12: {  	s8 =	sadd.s32 $0x60, s4;
	s9 =	sadd.s32 s10, s11;
	s10 =	sadd.s32 s14, s10  }
0x13: {  	s11 =	sshrl.u32 s31, $0x3;
	s12 =	sadd.s32 s12, s0;
	s14 =	simm.s32 $0x80  }
0x14: {  	s25 =	simm.s32 $0x14300;
	s13 =	sadd.s32 s26, s10;
	s10 =	sadd.s32 s11, s0  }
0x15: {  	s26 =	simm.s32 $0x3;
	s11 =	sadd.s32 $0x4800, s13;
	s13 =	simm.s32 $0x5  }
.LBB2_4:
0x16: {  	_ =	swait.ge [sflag:s26], $0xC000  }
0x17: {  	[sflag:s26] =	ssyncset.done $0x0  }
0x18: {  	[sflag:s26] =	ssyncadd.s32 $0xFFFF4000  }
0x19: {  	_ =	swait.ge [sflag:s29], $0xC000  }
0x1a: {  	s30 =	sadd.s32 $0x1, s30;
	s0 =	rddreg [dreg:$0x3]  }
0x1b: {  	p0 =	sne.s32 s30, s0  }
.Ltmp1:
0x1c: {  	_ = 	snop;
	(pc) =	sbr.rel @!p0 .LBB2_5-.Ltmp1, $3  }
0x1d: {  	_ =	sdelay $0x1  }
0x1e: {  	[sflag:s29] =	ssyncset.done $0x0  }
0x1f: {  	[sflag:s29] =	ssyncadd.s32 $0xFFFF4000  }
.LBB2_1:
0x20: {  	[tilespmem:s3], [sflag:$0x5] =	stream.linear.gather [hbm4b:s4+s3], $0x180, $0x38;
	[tilespmem:$0x18300] =	vst v63  }
0x21: {  	_ =	swait.ge [sflag:s13], $0x180  }
0x22: {  	[sflag:s13] =	ssyncset.done $0x0  }
0x23: {  	[sflag:s13] =	ssyncadd.s32 $0xFFFFFE80  }
0x24: {  	[tilespmem:s15], [sflag:$0x1] =	stream.indirect.gather [hbm4b:s2+s14], $0x80, s3, s14, $0xb8;
	[tilespmem:$0x18300] =	vst v63  }
0x25: {  	_ = 	snop  }
0x26: {  	[tilespmem:s16], [sflag:$0x1] =	stream.indirect.gather [hbm4b:s2+s14], $0x80, s14, s14, $0xb8;
	[tilespmem:$0x18300] =	vst v63  }
0x27: {  	_ = 	snop  }
0x28: {  	[tilespmem:s18], [sflag:$0x1] =	stream.indirect.gather [hbm4b:s2+s14], $0x80, s17, s14, $0xb8;
	[tilespmem:$0x18300] =	vst v63  }
0x29: {  	_ = 	snop  }
0x2a: {  	[tilespmem:s19], [sflag:$0x5] =	stream.linear.gather [hbm4b:s6+s3], $0x180, $0x38;
	[tilespmem:$0x18300] =	vst v63  }
0x2b: {  	_ =	swait.ge [sflag:s13], $0x180  }
0x2c: {  	[sflag:s13] =	ssyncset.done $0x0  }
0x2d: {  	[sflag:s13] =	ssyncadd.s32 $0xFFFFFE80  }
0x2e: {  	_ =	swait.ge [sflag:s20], $0x4000  }
0x2f: {  	[sflag:s20] =	ssyncset.done $0x0  }
0x30: {  	[sflag:s20] =	ssyncadd.s32 $0xFFFFC000  }
0x31: {  	_ =	swait.ge [sflag:s20], $0x4000  }
0x32: {  	[sflag:s20] =	ssyncset.done $0x0  }
0x33: {  	[sflag:s20] =	ssyncadd.s32 $0xFFFFC000  }
0x34: {  	_ =	swait.ge [sflag:s20], $0x4000  }
0x35: {  	[sflag:s20] =	ssyncset.done $0x0  }
0x36: {  	[sflag:s20] =	ssyncadd.s32 $0xFFFFC000  }
0x37: {  	[hbm4b:s7+s3] =	stream.linear.scatter [tilespmem:s15], [sflag:$0x3], $0xC000, $0x38;
	[tilespmem:$0x18300] =	vst v63  }
0x38: {  	_ = 	snop  }
0x39: {  	[tilespmem:s21], [sflag:$0x2] =	stream.indirect.gather [hbm4b:s2+s14], $0x80, s19, s14, $0xb8;
	[tilespmem:$0x18300] =	vst v63  }
0x3a: {  	_ = 	snop  }
0x3b: {  	[tilespmem:s23], [sflag:$0x2] =	stream.indirect.gather [hbm4b:s2+s14], $0x80, s22, s14, $0xb8;
	[tilespmem:$0x18300] =	vst v63  }
0x3c: {  	_ = 	snop  }
0x3d: {  	[tilespmem:s25], [sflag:$0x2] =	stream.indirect.gather [hbm4b:s2+s14], $0x80, s24, s14, $0xb8;
	[tilespmem:$0x18300] =	vst v63  }
0x3e: {  	_ = 	snop  }
0x3f: {  	[tilespmem:s3], [sflag:$0x5] =	stream.linear.gather [hbm4b:s8+s3], $0x180, $0x38;
	[tilespmem:$0x18300] =	vst v63  }
0x40: {  	_ =	swait.ge [sflag:s13], $0x180  }
0x41: {  	[sflag:s13] =	ssyncset.done $0x0  }
0x42: {  	[sflag:s13] =	ssyncadd.s32 $0xFFFFFE80  }
0x43: {  	_ =	swait.ge [sflag:s26], $0xC000  }
0x44: {  	[sflag:s26] =	ssyncset.done $0x0  }
0x45: {  	[sflag:s26] =	ssyncadd.s32 $0xFFFF4000  }
0x46: {  	_ =	swait.ge [sflag:s28], $0x4000  }
0x47: {  	[sflag:s28] =	ssyncset.done $0x0  }
0x48: {  	[sflag:s28] =	ssyncadd.s32 $0xFFFFC000  }
0x49: {  	_ =	swait.ge [sflag:s28], $0x4000  }
0x4a: {  	[sflag:s28] =	ssyncset.done $0x0  }
0x4b: {  	[sflag:s28] =	ssyncadd.s32 $0xFFFFC000  }
0x4c: {  	_ =	swait.ge [sflag:s28], $0x4000  }
0x4d: {  	[sflag:s28] =	ssyncset.done $0x0  }
0x4e: {  	[sflag:s28] =	ssyncadd.s32 $0xFFFFC000  }
0x4f: {  	[hbm4b:s9+s3] =	stream.linear.scatter [tilespmem:s21], [sflag:$0x4], $0xC000, $0x38;
	[tilespmem:$0x18300] =	vst v63  }
0x50: {  	_ = 	snop  }
0x51: {  	[tilespmem:s15], [sflag:$0x1] =	stream.indirect.gather [hbm4b:s2+s14], $0x80, s3, s14, $0xb8;
	[tilespmem:$0x18300] =	vst v63  }
0x52: {  	_ = 	snop  }
0x53: {  	[tilespmem:s16], [sflag:$0x1] =	stream.indirect.gather [hbm4b:s2+s14], $0x80, s14, s14, $0xb8;
	[tilespmem:$0x18300] =	vst v63  }
0x54: {  	s31 =	smov.u32 s11;
	s0 =	simm.s32 $0x0  }
0x55: {  	[tilespmem:s18], [sflag:$0x1] =	stream.indirect.gather [hbm4b:s2+s14], $0x80, s17, s14, $0xb8;
	[tilespmem:$0x18300] =	vst v63  }
.LBB2_2:
0x56: {  	s1 =	sadd.s32 s0, s12  }
0x57: {  	[tilespmem:s19], [sflag:$0x5] =	stream.linear.gather [hbm4b:s1+s3], $0x180, $0x38;
	[tilespmem:$0x18300] =	vst v63  }
0x58: {  	_ =	swait.ge [sflag:s13], $0x180  }
0x59: {  	[sflag:s13] =	ssyncset.done $0x0  }
0x5a: {  	[sflag:s13] =	ssyncadd.s32 $0xFFFFFE80  }
0x5b: {  	_ =	swait.ge [sflag:s29], $0xC000  }
0x5c: {  	[sflag:s29] =	ssyncset.done $0x0  }
0x5d: {  	[sflag:s29] =	ssyncadd.s32 $0xFFFF4000  }
0x5e: {  	_ =	swait.ge [sflag:s20], $0x4000  }
0x5f: {  	[sflag:s20] =	ssyncset.done $0x0  }
0x60: {  	[sflag:s20] =	ssyncadd.s32 $0xFFFFC000  }
0x61: {  	_ =	swait.ge [sflag:s20], $0x4000  }
0x62: {  	[sflag:s20] =	ssyncset.done $0x0  }
0x63: {  	[sflag:s20] =	ssyncadd.s32 $0xFFFFC000  }
0x64: {  	_ =	swait.ge [sflag:s20], $0x4000  }
0x65: {  	[sflag:s20] =	ssyncset.done $0x0  }
0x66: {  	s5 =	sadd.s32 $0xFFFFE800, s31;
	[sflag:s20] =	ssyncadd.s32 $0xFFFFC000  }
0x67: {  	[hbm4b:s5+s3] =	stream.linear.scatter [tilespmem:s15], [sflag:$0x3], $0xC000, $0x38;
	[tilespmem:$0x18300] =	vst v63  }
0x68: {  	_ = 	snop  }
0x69: {  	[tilespmem:s21], [sflag:$0x2] =	stream.indirect.gather [hbm4b:s2+s14], $0x80, s19, s14, $0xb8;
	[tilespmem:$0x18300] =	vst v63  }
0x6a: {  	_ = 	snop  }
0x6b: {  	[tilespmem:s23], [sflag:$0x2] =	stream.indirect.gather [hbm4b:s2+s14], $0x80, s22, s14, $0xb8;
	[tilespmem:$0x18300] =	vst v63  }
0x6c: {  	p0 =	seq.s32 s0, $0x1E0  }
0x6d: {  	[tilespmem:s25], [sflag:$0x2] =	stream.indirect.gather [hbm4b:s2+s14], $0x80, s24, s14, $0xb8;
	[tilespmem:$0x18300] =	vst v63  }
0x6e: {  	s1 =	sadd.s32 @!p0 s0, s10;
	s5 =	simm.s32 @!p0 $0x0  }
0x6f: {  	[tilespmem:s5], [sflag:$0x5] =	stream.linear.gather @!p0 [hbm4b:s1+s5], $0x180, $0x38;
	[tilespmem:$0x18300] =	vst v63  }
0x70: {  	s1 =	simm.s32 @!p0 $0x5  }
0x71: {  	_ =	swait.ge @!p0 [sflag:s1], $0x180  }
0x72: {  	[sflag:s1] =	ssyncset.done @!p0 $0x0  }
0x73: {  	[sflag:s1] =	ssyncadd.s32 @!p0 $0xFFFFFE80;
	s1 =	simm.s32 @!p0 $0x3  }
0x74: {  	_ =	swait.ge @!p0 [sflag:s1], $0xC000  }
0x75: {  	[sflag:s1] =	ssyncset.done @!p0 $0x0  }
0x76: {  	[sflag:s1] =	ssyncadd.s32 @!p0 $0xFFFF4000  }
0x77: {  	_ =	swait.ge [sflag:s28], $0x4000  }
0x78: {  	[sflag:s28] =	ssyncset.done $0x0  }
0x79: {  	[sflag:s28] =	ssyncadd.s32 $0xFFFFC000  }
0x7a: {  	_ =	swait.ge [sflag:s28], $0x4000  }
0x7b: {  	[sflag:s28] =	ssyncset.done $0x0  }
.Ltmp2:
0x7c: {  	[sflag:s28] =	ssyncadd.s32 $0xFFFFC000;
	(pc) =	sbr.rel @p0 .LBB2_4-.Ltmp2, $4  }
0x7d: {  	_ =	swait.ge [sflag:s28], $0x4000  }
0x7e: {  	[sflag:s28] =	ssyncset.done $0x0  }
0x7f: {  	[sflag:s28] =	ssyncadd.s32 $0xFFFFC000  }
0x80: {  	[hbm4b:s31+s3] =	stream.linear.scatter [tilespmem:s21], [sflag:$0x4], $0xC000, $0x38;
	[tilespmem:$0x18300] =	vst v63  }
0x81: {  	[tilespmem:s15], [sflag:$0x1] =	stream.indirect.gather [hbm4b:s2+s14], $0x80, s3, s14, $0xb8;
	[tilespmem:$0x18300] =	vst v63  }
.Ltmp3:
0x82: {  	_ = 	snop;
	(pc) =	sbr.rel .LBB2_2-.Ltmp3, $4  }
0x83: {  	_ = 	snop  }
0x84: {  	[tilespmem:s16], [sflag:$0x1] =	stream.indirect.gather [hbm4b:s2+s14], $0x80, s14, s14, $0xb8;
	[tilespmem:$0x18300] =	vst v63  }
0x85: {  	s0 =	sadd.s32 $0x60, s0;
	s31 =	sadd.s32 $0x3000, s31  }
0x86: {  	[tilespmem:s18], [sflag:$0x1] =	stream.indirect.gather [hbm4b:s2+s14], $0x80, s17, s14, $0xb8;
	[tilespmem:$0x18300] =	vst v63  }
.LBB2_5:
0x87: {  	_ =	sfence.sel $0x180000  }
0x88: {  	[bflag:$0x0] =	sbarrier.arrive $0xFFFF  }
0x89: {  	_ =	strace $0x90000047  }
0x8a: {  	s0 =	stileid.u32;
	[bflag:$0x2] =	sbarrier.arrive $0xFFFF  }
0x8b: {  	p0 =	sne.s32 s0, $0x0;
	s0 =	rddreg [dreg:$0x2]  }
0x8c: {  	s0 =	sadd.s32 @!p0 $0x100000, s0  }
0x8d: {  	[sflag:s0] =	ssyncadd.tile.s32 @!p0 $0x1;
	_ =	shalt  }
.Lfunc_end2:
_tile_overlayer_lowered:
.L_overlay_start_2:
0x8e: {  	(tag) =	ssettag $0x2  }
0x8f: {  	s0 =	rddreg [dreg:$0x0];
	s2 =	stileid.u32  }
0x90: {  	s1 =	rddreg [dreg:$0x1];
	p0 =	sne.s32 s2, $0x0  }
0x91: {  	s3 =	rddreg [dreg:$0x2];
	[bflag:$0x3] =	sbarrier.arrive $0xFFFF;
	s2 =	simm.s32 @!p0 $0x1C05  }
0x92: {  	[timem:s3], [sflag:s2] =	dma.local @!p0 [hbm:s0], s1  }
0x93: {  	s0 =	simm.s32 @!p0 $0x5  }
0x94: {  	_ =	swait.ge @!p0 [sflag:s0], s1  }
0x95: {  	s1 =	ssub.s32 @!p0 $0x0, s1;
	[sflag:s0] =	ssyncset.done @!p0 $0x0  }
0x96: {  	[sflag:s0] =	ssyncadd.s32 @!p0 s1  }
0x97: {  	[bflag:$0x3] =	sbarrier.arrive $0xFFFF  }
0x98: {  	_ =	shalt  }

// kernel: kernel.9.cloned.1.call-start
scs
__scs_entry_jumppad:
0x0: {  	(pc) =	sbr.rel $0x88, $3  }
0x1: {  	(tag) =	ssettag $0x0;
	lr =	simm.s32 $0x1  }
0x2: {  	[smem:$0x3F9C] =	sst lr;
	_ =	strace $0xD0000000  }
0x3: {  	_ = 	snop  }
0x4: {  	_ = 	snop  }
0x5: {  	_ = 	snop  }
0x6: {  	_ = 	snop  }
0x7: {  	_ = 	snop  }
__scs_overlays_trampoline_lowered:
0x8: {  	[smem:$0x3FAB] =	sst s0  }
0x9: {  	[smem:$0x3FAC] =	sst s1  }
0xa: {  	[smem:$0x3FAD] =	sst s2  }
0xb: {  	[smem:$0x3FAE] =	sst s3  }
0xc: {  	[smem:$0x3FAF] =	sst s4  }
0xd: {  	[smem:$0x3FB0] =	sst s5  }
0xe: {  	[smem:$0x3FB1] =	sst s6  }
0xf: {  	[smem:$0x3FB2] =	sst s7  }
0x10: {  	[smem:$0x3FB3] =	sst s8  }
0x11: {  	[smem:$0x3FB4] =	sst s9;
	s0 =	simm.s32 @!p0 $0x0  }
0x12: {  	s1 =	sld [smem:$0x3F9A];
	s0 =	simm.s32 @p0 $0x1  }
0x13: {  	[smem:$0x3FB5] =	sst s0;
	s0 =	simm.s32 @!p1 $0x0  }
0x14: {  	s2 =	sld [smem:$0x3F99];
	s0 =	simm.s32 @p1 $0x1  }
0x15: {  	[smem:$0x3FB6] =	sst s0;
	s0 =	simm.s32 @!p2 $0x0  }
0x16: {  	s3 =	sld [smem:$0x3FDB];
	s0 =	simm.s32 @p2 $0x1  }
0x17: {  	s4 =	simm.s32 $0x1BF5;
	[smem:$0x3FB8] =	sst s0  }
0x18: {  	s0 =	sld [smem:$0x3F9B];
	_ =	swait.ge [sflag:s4], $0x0  }
0x19: {  	s7 =	sld [smem:$0x3F9C]  }
0x1a: {  	s8 =	sadd.s32 $0xFFFFE003, lr  }
0x1b: {  	s9 =	sadd.s32 $0xFFFFFEF7, lr;
	s5 =	simm.s32 $0xFFFFFFFF;
	p2 =	slt.u32 s8, $0xFFFFF086  }
0x1c: {  	p1 =	slt.u32 s9, $0xF7A;
	s5 =	simm.s32 @!p2 $0x0  }
0x1d: {  	s5 =	simm.s32 @p1 $0x1;
	p0 =	seq.s32 s7, s2  }
0x1e: {  	s7 =	smul.u32 @!p0 $0xF7A, s2;
	p2 =	seq.s32 @!p0 s5, $0x0  }
0x1f: {  	s9 =	smul.u32 $0xF7A, s1;
	s8 =	simm.s32 @!p0 $0x1BF5;
	p2 =	por !p2, p0  }
0x20: {  	[sflag:s8] =	ssyncset.s32 @!p0 $0xFFFFF086;
	s6 =	sadd.s32 @!p0 s3, s7;
	s7 =	simm.s32 @!p0 $0x108  }
0x21: {  	s3 =	sadd.s32 s3, s9;
	s6 =	sadd.s32 @!p0 $0x88, s6;
	s7 =	simm.s32 @p2 $0x1082  }
0x22: {  	[simem:s7], [sflag:s8] =	dma.local @!p0 [hbm:s6], $0xF7A  }
0x23: {  	s9 =	sor.u32 $0xD0000000, s2;
	s6 =	simm.s32 $0x108;
	_ =	swait.ge @!p0 [sflag:s8], $0x0  }
0x24: {  	s3 =	sadd.s32 $0x88, s3;
	s6 =	simm.s32 @!p1 $0x1082;
	[sflag:s4] =	ssyncset.s32 $0xFFFFF086  }
0x25: {  	[simem:s6], [sflag:s4] =	dma.local [hbm:s3], $0xF7A  }
0x26: {  	[smem:$0x3F9C] =	sst s1;
	(tag) =	ssettag s2;
	_ =	strace s9  }
0x27: {  	s1 =	sld [smem:$0x3FAC]  }
0x28: {  	s2 =	sld [smem:$0x3FAD]  }
0x29: {  	s4 =	sld [smem:$0x3FAF]  }
0x2a: {  	p0 =	seq.s32 s5, $0x0;
	s5 =	sld [smem:$0x3FB0]  }
0x2b: {  	s6 =	sld [smem:$0x3FB1]  }
0x2c: {  	s7 =	sld [smem:$0x3FB2]  }
0x2d: {  	s3 =	simm.s32 $0x108;
	s8 =	sld [smem:$0x3FB3]  }
0x2e: {  	s3 =	simm.s32 @!p0 $0x1082;
	s9 =	sld [smem:$0x3FB4]  }
0x2f: {  	lr =	sadd.s32 s0, s3;
	s0 =	sld [smem:$0x3FAB]  }
0x30: {  	s3 =	sld [smem:$0x3FAE]  }
0x31: {  	[smem:$0x3FB7] =	sst s10  }
0x32: {  	s10 =	sld [smem:$0x3FB5];
	_ =	sdelay $0x3  }
0x33: {  	p0 =	seq.s32 s10, $0x1;
	s10 =	sld [smem:$0x3FB7];
	_ =	sdelay $0x3  }
0x34: {  	[smem:$0x3FB7] =	sst s10  }
0x35: {  	s10 =	sld [smem:$0x3FB6];
	_ =	sdelay $0x3  }
0x36: {  	p1 =	seq.s32 s10, $0x1;
	s10 =	sld [smem:$0x3FB7];
	_ =	sdelay $0x3  }
0x37: {  	[smem:$0x3FB7] =	sst s10  }
0x38: {  	s10 =	sld [smem:$0x3FB8]  }
0x39: {  	_ = 	snop;
	(pc) =	sbr.ind lr, $3  }
0x3a: {  	_ = 	snop  }
0x3b: {  	_ = 	snop  }
0x3c: {  	p2 =	seq.s32 s10, $0x1;
	s10 =	sld [smem:$0x3FB7]  }
0x3d: {  	_ =	shalt  }
0x3e: {  	_ =	shalt  }
0x3f: {  	_ =	shalt  }
0x40: {  	_ =	shalt  }
0x41: {  	_ =	shalt  }
0x42: {  	_ =	shalt  }
0x43: {  	_ =	shalt  }
0x44: {  	_ =	shalt  }
0x45: {  	_ =	shalt  }
0x46: {  	_ =	shalt  }
0x47: {  	_ =	shalt  }
0x48: {  	_ =	shalt  }
0x49: {  	_ =	shalt  }
0x4a: {  	_ =	shalt  }
0x4b: {  	_ =	shalt  }
0x4c: {  	_ =	shalt  }
0x4d: {  	_ =	shalt  }
0x4e: {  	_ =	shalt  }
0x4f: {  	_ =	shalt  }
0x50: {  	_ =	shalt  }
0x51: {  	_ =	shalt  }
0x52: {  	_ =	shalt  }
0x53: {  	_ =	shalt  }
0x54: {  	_ =	shalt  }
0x55: {  	_ =	shalt  }
0x56: {  	_ =	shalt  }
0x57: {  	_ =	shalt  }
0x58: {  	_ =	shalt  }
0x59: {  	_ =	shalt  }
0x5a: {  	_ =	shalt  }
0x5b: {  	_ =	shalt  }
0x5c: {  	_ =	shalt  }
0x5d: {  	_ =	shalt  }
0x5e: {  	_ =	shalt  }
0x5f: {  	_ =	shalt  }
0x60: {  	_ =	shalt  }
0x61: {  	_ =	shalt  }
0x62: {  	_ =	shalt  }
0x63: {  	_ =	shalt  }
0x64: {  	_ =	shalt  }
0x65: {  	_ =	shalt  }
0x66: {  	_ =	shalt  }
0x67: {  	_ =	shalt  }
0x68: {  	_ =	shalt  }
0x69: {  	_ =	shalt  }
0x6a: {  	_ =	shalt  }
0x6b: {  	_ =	shalt  }
0x6c: {  	_ =	shalt  }
0x6d: {  	_ =	shalt  }
0x6e: {  	_ =	shalt  }
0x6f: {  	_ =	shalt  }
0x70: {  	_ =	shalt  }
0x71: {  	_ =	shalt  }
0x72: {  	_ =	shalt  }
0x73: {  	_ =	shalt  }
0x74: {  	_ =	shalt  }
0x75: {  	_ =	shalt  }
0x76: {  	_ =	shalt  }
0x77: {  	_ =	shalt  }
0x78: {  	_ =	shalt  }
0x79: {  	_ =	shalt  }
0x7a: {  	_ =	shalt  }
0x7b: {  	_ =	shalt  }
0x7c: {  	_ =	shalt  }
0x7d: {  	_ =	shalt  }
0x7e: {  	_ =	shalt  }
0x7f: {  	_ =	shalt  }
0x80: {  	_ =	shalt  }
0x81: {  	_ =	shalt  }
0x82: {  	_ =	shalt  }
0x83: {  	_ =	shalt  }
0x84: {  	_ =	shalt  }
0x85: {  	_ =	shalt  }
0x86: {  	_ =	shalt  }
0x87: {  	_ =	shalt  }
.Lfunc_end0:
.L_simem_size_0:
called_computation.1_lowered:
.L_overlay_start_0:
0x88: {  	s2 =	sld [smem:$0x3FD9]  }
0x89: {  	s3 =	sld [smem:$0x3FFE];
	_ =	sdelay $0x1  }
0x8a: {  	s1 =	srdreg.scid  }
0x8b: {  	s0 =	sand.u32 $0x1, s1  }
0x8c: {  	s17 =	sshll.u32 s0, $0xA;
	s2 =	sadd.s32 s3, s2  }
0x8d: {  	s2 =	sadd.s32 s2, s17  }
0x8e: {  	[smem:$0x3FC3] =	sst s2  }
0x8f: {  	_ = 	snop  }
0x90: {  	s18 =	sld [smem:$0x3FC9]  }
0x91: {  	s4 =	sld [smem:$0x3FD0];
	(tm) =	ssettm $0x1  }
0x92: {  	s19 =	sld [smem:$0x3FFB];
	_ =	sdelay $0x3  }
0x93: {  	_ =	strace s19  }
0x94: {  	s2 =	sld [smem:$0x3FFC];
	_ =	sdelay $0x3  }
0x95: {  	_ =	strace s2  }
0x96: {  	s2 =	sld [smem:$0x3FFD];
	_ =	sdelay $0x3  }
0x97: {  	_ =	strace s2  }
0x98: {  	_ =	strace $0x8FFFFFFF  }
0x99: {  	s20 =	sld [smem:$0x3FDB];
	_ =	sdelay $0x1  }
0x9a: {  	s5 =	simm.s32 $_scs_section_size  }
0x9b: {  	s6 =	simm.s32 $_size__tile_overlayer_lowered;
	s7 =	simm.s32 $_tile_overlayer_lowered  }
0x9c: {  	s8 =	simm.s32 $0x1BFF;
	s21 =	sshll.u32 s7, $0x1;
	s5 =	sadd.s32 s5, s20  }
0x9d: {  	s22 =	simm.s32 $0x0;
	s6 =	sshll.u32 s6, $0x1;
	s7 =	sadd.s32 s21, s5  }
0x9e: {  	[timem:s22], [sflag:s8] =	dma.local [hbm:s7], s6  }
0x9f: {  	_ =	swait.ge [sflag:s8], s6  }
0xa0: {  	s6 =	ssub.s32 $0x0, s6;
	[sflag:s8] =	ssyncset.done $0x0  }
0xa1: {  	[sflag:s8] =	ssyncadd.s32 s6;
	_ =	sdelay $0x1  }
0xa2: {  	s23 =	simm.s32 $0x1B8B  }
0xa3: {  	_ =	swait.ge [sflag:s23], $0x1  }
0xa4: {  	[sflag:s23] =	ssyncset.done $0x0  }
0xa5: {  	[sflag:s23] =	ssyncadd.s32 $0xFFFFFFFF  }
0xa6: {  	s6 =	sld [smem:$0x0]  }
0xa7: {  	s7 =	sand.u32 $0xFFFFFFFE, s1  }
0xa8: {  	p0 =	sne.s32 s1, s7  }
0xa9: {  	s7 =	sshll.u32 @p0 s7, $0xE  }
0xaa: {  	s7 =	sadd.s32 @p0 $0x11B8D, s7;
	s8 =	sshll.u32 @p0 s6, $0x11  }
0xab: {  	s7 =	sor.u32 @p0 s8, s7  }
0xac: {  	[sflag:s7] =	ssyncadd.remote.s32 @p0 $0x1;
	_ =	sdelay $0x1  }
0xad: {  	s7 =	simm.s32 @p0 $0x1B8D  }
0xae: {  	_ =	swait.eq @p0 [sflag:s7], $0x1  }
0xaf: {  	[sflag:s7] =	ssyncadd.s32 @p0 $0xFFFFFFFF  }
0xb0: {  	s8 =	sshll.u32 @!p0 s1, $0xE  }
0xb1: {  	s8 =	sor.u32 @!p0 $0x4000, s8;
	s7 =	simm.s32 @!p0 $0x1B8D  }
0xb2: {  	s6 =	sshll.u32 @!p0 s6, $0x11;
	s8 =	sadd.s32 @!p0 $0x11B8D, s8;
	_ =	swait.eq @!p0 [sflag:s7], $0x1  }
0xb3: {  	s6 =	sor.u32 @!p0 s6, s8;
	[sflag:s7] =	ssyncadd.s32 @!p0 $0xFFFFFFFF  }
0xb4: {  	s25 =	simm.s32 $0x1B8E;
	s24 =	sld [smem:$0x3FFE];
	[sflag:s6] =	ssyncadd.remote.s32 @!p0 $0x1  }
0xb5: {  	s26 =	simm.s32 $execute0_lowered;
	[smem:$0x3FD2] =	sst s25  }
0xb6: {  	s7 =	sshll.u32 s26, $0x1;
	_ =	strace $0x80000049;
	[dreg:$0x1] =	wrdreg $0xFFFFFFFF  }
0xb7: {  	s28 =	simm.s32 $_size_execute0_lowered;
	s5 =	sadd.s32 s5, s7;
	[dreg:$0x0] =	wrdreg $0x0  }
0xb8: {  	s7 =	sshll.u32 s28, $0x1;
	[dreg:$0x2] =	wrdreg s5  }
0xb9: {  	[dreg:$0x3] =	wrdreg s7  }
0xba: {  	[dreg:$0x4] =	wrdreg $0xC0  }
0xbb: {  	_ =	task [dreg:s22], $0x5FFFF  }
0xbc: {  	[dreg:$0x1] =	wrdreg $0xFFFFFFFF  }
0xbd: {  	[dreg:$0x0] =	wrdreg $0x60  }
0xbe: {  	[dreg:$0x2] =	wrdreg s18  }
0xbf: {  	[dreg:$0x3] =	wrdreg s4  }
0xc0: {  	[dreg:$0x4] =	wrdreg s24  }
0xc1: {  	[dreg:$0x5] =	wrdreg $0xA  }
0xc2: {  	_ =	task.clear_ibuf [dreg:s22], $0x6FFFF;
	_ =	strace $0x90000049  }
0xc3: {  	s29 =	simm.s32 $0xA;
	_ =	strace $0x8000004B  }
0xc4: {  	_ =	swait.ge [sflag:s29], $0x1  }
0xc5: {  	[sflag:s29] =	ssyncadd.s32 $0xFFFFFFFF  }
0xc6: {  	_ =	strace $0x9000004B  }
0xc7: {  	_ =	sfence  }
0xc8: {  	s30 =	sld [smem:$0x0];
	_ =	sdelay $0x2  }
0xc9: {  	s31 =	sshll.u32 s1, $0xD;
	s1 =	sshrl.u32 s1, $0x2  }
0xca: {  	s4 =	sand.u32 $0x4000, s31;
	s1 =	sadd.s32 s1, s30  }
0xcb: {  	s0 =	sor.u32 s4, s0;
	s1 =	sshll.u32 s1, $0x11  }
0xcc: {  	s0 =	sor.u32 s1, s0  }
0xcd: {  	s0 =	sadd.s32 $0x8F2B, s0  }
0xce: {  	[sflag:s0] =	ssyncadd.remote.s32 $0x1  }
0xcf: {  	_ =	sfence.sel $0xFFFF  }
0xd0: {  	[dreg:$0x0] =	wrdreg $0xFFFFFFFF;
	(pc) =	sbr.abs _section_cstart, $3  }
0xd1: {  	[dreg:$0x1] =	wrdreg $0xFFFFFFFF  }
0xd2: {  	_ =	task.clear_ibuf [dreg:s22], $0x2FFFF;
	_ =	strace $0x9FFFFFFF  }
0xd3: {  	(tm) =	ssettm $0x7FFFFFFF  }
tec
execute0_lowered:
.L_overlay_start_1:
0x0: {  	(tag) =	ssettag $0x1  }
0x1: {  	s2 =	rddreg [dreg:$0x0]  }
0x2: {  	s0 =	rddreg [dreg:$0x1]  }
0x3: {  	s4 =	rddreg [dreg:$0x2]  }
0x4: {  	s3 =	srdreg.scid;
	s1 =	stileid.u32;
	s15 =	simm.s32 $0x300  }
0x5: {  	s16 =	simm.s32 $0x4300;
	s17 =	simm.s32 $0x100;
	s18 =	simm.s32 $0x8300  }
0x6: {  	s19 =	simm.s32 $0x180;
	s20 =	simm.s32 $0x1;
	s21 =	simm.s32 $0xC300  }
0x7: {  	s22 =	simm.s32 $0x200;
	s28 =	simm.s32 $0x2;
	s29 =	simm.s32 $0x4  }
0x8: {  	s30 =	simm.s32 $0x0;
	s9 =	sand.u32 $0x1, s3;
	s12 =	smul.u32 $0x2A00, s1  }
0x9: {  	s5 =	sshll.u32 s1, $0x1;
	s3 =	simm.s32 $0x0;
	s14 =	smul.u32 $0x2A000, s1  }
0xa: {  	s10 =	sadd.s32 $0x2A5400, s4;
	s6 =	ssub.s32 $0x2, s9;
	s13 =	smul.u32 $0x1500, s9  }
0xb: {  	s5 =	sor.u32 s9, s5;
	[smem:$0x7FF] =	sst s3;
	s26 =	smul.u32 $0x15000, s9  }
0xc: {  	s7 =	sshrl.u32 s6, $0x1;
	s8 =	smul.u32 $0x1500, s5;
	_ =	strace $0x8000004A  }
0xd: {  	s24 =	smul.u32 $0x15000, s5;
	s6 =	ssub.s32 s6, s7;
	s12 =	sadd.s32 s13, s12  }
0xe: {  	s23 =	sshrl.u32 s8, $0x3;
	s11 =	sadd.s32 $0x180, s8;
	s25 =	smax.u32 s6, $0x1  }
0xf: {  	s7 =	sadd.s32 s10, s24;
	s31 =	sadd.s32 $0x600, s12;
	s12 =	sadd.s32 $0x480, s12  }
0x10: {  	s24 =	simm.s32 $0x280;
	s4 =	sadd.s32 s0, s23;
	s8 =	sshrl.u32 s11, $0x3  }
0x11: {  	[dreg:$0x4] =	wrdreg s25;
	s11 =	sshll.u32 s11, $0x4;
	s12 =	sshrl.u32 s12, $0x3  }
.Ltmp0:
0x12: {  	s23 =	simm.s32 $0x10300;
	s25 =	simm.s32 $0x14300;
	(pc) =	sbr.rel .LBB2_1-.Ltmp0, $4  }
0x13: {  	s6 =	sadd.s32 s0, s8;
	s8 =	sadd.s32 $0x60, s4;
	s9 =	sadd.s32 s10, s11  }
0x14: {  	s10 =	sadd.s32 s14, s10;
	s11 =	sshrl.u32 s31, $0x3;
	s12 =	sadd.s32 s12, s0  }
0x15: {  	s14 =	simm.s32 $0x80;
	s13 =	sadd.s32 s26, s10;
	s10 =	sadd.s32 s11, s0  }
0x16: {  	s26 =	simm.s32 $0x3;
	s11 =	sadd.s32 $0x4800, s13;
	s13 =	simm.s32 $0x5  }
.LBB2_4:
0x17: {  	_ =	swait.ge [sflag:s26], $0xC000  }
0x18: {  	[sflag:s26] =	ssyncset.done $0x0  }
0x19: {  	[sflag:s26] =	ssyncadd.s32 $0xFFFF4000  }
0x1a: {  	_ =	swait.ge [sflag:s29], $0xC000  }
0x1b: {  	s30 =	sadd.s32 $0x1, s30;
	s0 =	rddreg [dreg:$0x4]  }
0x1c: {  	p0 =	sne.s32 s30, s0  }
.Ltmp1:
0x1d: {  	_ = 	snop;
	(pc) =	sbr.rel @!p0 .LBB2_5-.Ltmp1, $3  }
0x1e: {  	_ =	sdelay $0x1  }
0x1f: {  	[sflag:s29] =	ssyncset.done $0x0  }
0x20: {  	[sflag:s29] =	ssyncadd.s32 $0xFFFF4000  }
.LBB2_1:
0x21: {  	[tilespmem:s3], [sflag:$0x5] =	stream.linear.gather [hbm4b:s4+s3], $0x180, $0x38;
	[tilespmem:$0x18300] =	vst v63  }
0x22: {  	_ =	swait.ge [sflag:s13], $0x180  }
0x23: {  	[sflag:s13] =	ssyncset.done $0x0  }
0x24: {  	[sflag:s13] =	ssyncadd.s32 $0xFFFFFE80  }
0x25: {  	[tilespmem:s15], [sflag:$0x1] =	stream.indirect.gather [hbm4b:s2+s14], $0x80, s3, s14, $0xb8;
	[tilespmem:$0x18300] =	vst v63  }
0x26: {  	_ = 	snop  }
0x27: {  	[tilespmem:s16], [sflag:$0x1] =	stream.indirect.gather [hbm4b:s2+s14], $0x80, s14, s14, $0xb8;
	[tilespmem:$0x18300] =	vst v63  }
0x28: {  	_ = 	snop  }
0x29: {  	[tilespmem:s18], [sflag:$0x1] =	stream.indirect.gather [hbm4b:s2+s14], $0x80, s17, s14, $0xb8;
	[tilespmem:$0x18300] =	vst v63  }
0x2a: {  	_ = 	snop  }
0x2b: {  	[tilespmem:s19], [sflag:$0x5] =	stream.linear.gather [hbm4b:s6+s3], $0x180, $0x38;
	[tilespmem:$0x18300] =	vst v63  }
0x2c: {  	_ =	swait.ge [sflag:s13], $0x180  }
0x2d: {  	[sflag:s13] =	ssyncset.done $0x0  }
0x2e: {  	[sflag:s13] =	ssyncadd.s32 $0xFFFFFE80  }
0x2f: {  	_ =	swait.ge [sflag:s20], $0x4000  }
0x30: {  	[sflag:s20] =	ssyncset.done $0x0  }
0x31: {  	[sflag:s20] =	ssyncadd.s32 $0xFFFFC000  }
0x32: {  	_ =	swait.ge [sflag:s20], $0x4000  }
0x33: {  	[sflag:s20] =	ssyncset.done $0x0  }
0x34: {  	[sflag:s20] =	ssyncadd.s32 $0xFFFFC000  }
0x35: {  	_ =	swait.ge [sflag:s20], $0x4000  }
0x36: {  	[sflag:s20] =	ssyncset.done $0x0  }
0x37: {  	[sflag:s20] =	ssyncadd.s32 $0xFFFFC000  }
0x38: {  	[hbm4b:s7+s3] =	stream.linear.scatter [tilespmem:s15], [sflag:$0x3], $0xC000, $0x38;
	[tilespmem:$0x18300] =	vst v63  }
0x39: {  	_ = 	snop  }
0x3a: {  	[tilespmem:s21], [sflag:$0x2] =	stream.indirect.gather [hbm4b:s2+s14], $0x80, s19, s14, $0xb8;
	[tilespmem:$0x18300] =	vst v63  }
0x3b: {  	_ = 	snop  }
0x3c: {  	[tilespmem:s23], [sflag:$0x2] =	stream.indirect.gather [hbm4b:s2+s14], $0x80, s22, s14, $0xb8;
	[tilespmem:$0x18300] =	vst v63  }
0x3d: {  	_ = 	snop  }
0x3e: {  	[tilespmem:s25], [sflag:$0x2] =	stream.indirect.gather [hbm4b:s2+s14], $0x80, s24, s14, $0xb8;
	[tilespmem:$0x18300] =	vst v63  }
0x3f: {  	_ = 	snop  }
0x40: {  	[tilespmem:s3], [sflag:$0x5] =	stream.linear.gather [hbm4b:s8+s3], $0x180, $0x38;
	[tilespmem:$0x18300] =	vst v63  }
0x41: {  	_ =	swait.ge [sflag:s13], $0x180  }
0x42: {  	[sflag:s13] =	ssyncset.done $0x0  }
0x43: {  	[sflag:s13] =	ssyncadd.s32 $0xFFFFFE80  }
0x44: {  	_ =	swait.ge [sflag:s26], $0xC000  }
0x45: {  	[sflag:s26] =	ssyncset.done $0x0  }
0x46: {  	[sflag:s26] =	ssyncadd.s32 $0xFFFF4000  }
0x47: {  	_ =	swait.ge [sflag:s28], $0x4000  }
0x48: {  	[sflag:s28] =	ssyncset.done $0x0  }
0x49: {  	[sflag:s28] =	ssyncadd.s32 $0xFFFFC000  }
0x4a: {  	_ =	swait.ge [sflag:s28], $0x4000  }
0x4b: {  	[sflag:s28] =	ssyncset.done $0x0  }
0x4c: {  	[sflag:s28] =	ssyncadd.s32 $0xFFFFC000  }
0x4d: {  	_ =	swait.ge [sflag:s28], $0x4000  }
0x4e: {  	[sflag:s28] =	ssyncset.done $0x0  }
0x4f: {  	[sflag:s28] =	ssyncadd.s32 $0xFFFFC000  }
0x50: {  	[hbm4b:s9+s3] =	stream.linear.scatter [tilespmem:s21], [sflag:$0x4], $0xC000, $0x38;
	[tilespmem:$0x18300] =	vst v63  }
0x51: {  	_ = 	snop  }
0x52: {  	[tilespmem:s15], [sflag:$0x1] =	stream.indirect.gather [hbm4b:s2+s14], $0x80, s3, s14, $0xb8;
	[tilespmem:$0x18300] =	vst v63  }
0x53: {  	_ = 	snop  }
0x54: {  	[tilespmem:s16], [sflag:$0x1] =	stream.indirect.gather [hbm4b:s2+s14], $0x80, s14, s14, $0xb8;
	[tilespmem:$0x18300] =	vst v63  }
0x55: {  	s31 =	smov.u32 s11;
	s0 =	simm.s32 $0x0  }
0x56: {  	[tilespmem:s18], [sflag:$0x1] =	stream.indirect.gather [hbm4b:s2+s14], $0x80, s17, s14, $0xb8;
	[tilespmem:$0x18300] =	vst v63  }
.LBB2_2:
0x57: {  	s1 =	sadd.s32 s0, s12  }
0x58: {  	[tilespmem:s19], [sflag:$0x5] =	stream.linear.gather [hbm4b:s1+s3], $0x180, $0x38;
	[tilespmem:$0x18300] =	vst v63  }
0x59: {  	_ =	swait.ge [sflag:s13], $0x180  }
0x5a: {  	[sflag:s13] =	ssyncset.done $0x0  }
0x5b: {  	[sflag:s13] =	ssyncadd.s32 $0xFFFFFE80  }
0x5c: {  	_ =	swait.ge [sflag:s29], $0xC000  }
0x5d: {  	[sflag:s29] =	ssyncset.done $0x0  }
0x5e: {  	[sflag:s29] =	ssyncadd.s32 $0xFFFF4000  }
0x5f: {  	_ =	swait.ge [sflag:s20], $0x4000  }
0x60: {  	[sflag:s20] =	ssyncset.done $0x0  }
0x61: {  	[sflag:s20] =	ssyncadd.s32 $0xFFFFC000  }
0x62: {  	_ =	swait.ge [sflag:s20], $0x4000  }
0x63: {  	[sflag:s20] =	ssyncset.done $0x0  }
0x64: {  	[sflag:s20] =	ssyncadd.s32 $0xFFFFC000  }
0x65: {  	_ =	swait.ge [sflag:s20], $0x4000  }
0x66: {  	[sflag:s20] =	ssyncset.done $0x0  }
0x67: {  	s5 =	sadd.s32 $0xFFFFE800, s31;
	[sflag:s20] =	ssyncadd.s32 $0xFFFFC000  }
0x68: {  	[hbm4b:s5+s3] =	stream.linear.scatter [tilespmem:s15], [sflag:$0x3], $0xC000, $0x38;
	[tilespmem:$0x18300] =	vst v63  }
0x69: {  	_ = 	snop  }
0x6a: {  	[tilespmem:s21], [sflag:$0x2] =	stream.indirect.gather [hbm4b:s2+s14], $0x80, s19, s14, $0xb8;
	[tilespmem:$0x18300] =	vst v63  }
0x6b: {  	_ = 	snop  }
0x6c: {  	[tilespmem:s23], [sflag:$0x2] =	stream.indirect.gather [hbm4b:s2+s14], $0x80, s22, s14, $0xb8;
	[tilespmem:$0x18300] =	vst v63  }
0x6d: {  	p0 =	seq.s32 s0, $0x1E0  }
0x6e: {  	[tilespmem:s25], [sflag:$0x2] =	stream.indirect.gather [hbm4b:s2+s14], $0x80, s24, s14, $0xb8;
	[tilespmem:$0x18300] =	vst v63  }
0x6f: {  	s1 =	sadd.s32 @!p0 s0, s10;
	s5 =	simm.s32 @!p0 $0x0  }
0x70: {  	[tilespmem:s5], [sflag:$0x5] =	stream.linear.gather @!p0 [hbm4b:s1+s5], $0x180, $0x38;
	[tilespmem:$0x18300] =	vst v63  }
0x71: {  	s1 =	simm.s32 @!p0 $0x5  }
0x72: {  	_ =	swait.ge @!p0 [sflag:s1], $0x180  }
0x73: {  	[sflag:s1] =	ssyncset.done @!p0 $0x0  }
0x74: {  	[sflag:s1] =	ssyncadd.s32 @!p0 $0xFFFFFE80;
	s1 =	simm.s32 @!p0 $0x3  }
0x75: {  	_ =	swait.ge @!p0 [sflag:s1], $0xC000  }
0x76: {  	[sflag:s1] =	ssyncset.done @!p0 $0x0  }
0x77: {  	[sflag:s1] =	ssyncadd.s32 @!p0 $0xFFFF4000  }
0x78: {  	_ =	swait.ge [sflag:s28], $0x4000  }
0x79: {  	[sflag:s28] =	ssyncset.done $0x0  }
0x7a: {  	[sflag:s28] =	ssyncadd.s32 $0xFFFFC000  }
0x7b: {  	_ =	swait.ge [sflag:s28], $0x4000  }
0x7c: {  	[sflag:s28] =	ssyncset.done $0x0  }
.Ltmp2:
0x7d: {  	[sflag:s28] =	ssyncadd.s32 $0xFFFFC000;
	(pc) =	sbr.rel @p0 .LBB2_4-.Ltmp2, $4  }
0x7e: {  	_ =	swait.ge [sflag:s28], $0x4000  }
0x7f: {  	[sflag:s28] =	ssyncset.done $0x0  }
0x80: {  	[sflag:s28] =	ssyncadd.s32 $0xFFFFC000  }
0x81: {  	[hbm4b:s31+s3] =	stream.linear.scatter [tilespmem:s21], [sflag:$0x4], $0xC000, $0x38;
	[tilespmem:$0x18300] =	vst v63  }
0x82: {  	[tilespmem:s15], [sflag:$0x1] =	stream.indirect.gather [hbm4b:s2+s14], $0x80, s3, s14, $0xb8;
	[tilespmem:$0x18300] =	vst v63  }
.Ltmp3:
0x83: {  	_ = 	snop;
	(pc) =	sbr.rel .LBB2_2-.Ltmp3, $4  }
0x84: {  	_ = 	snop  }
0x85: {  	[tilespmem:s16], [sflag:$0x1] =	stream.indirect.gather [hbm4b:s2+s14], $0x80, s14, s14, $0xb8;
	[tilespmem:$0x18300] =	vst v63  }
0x86: {  	s0 =	sadd.s32 $0x60, s0;
	s31 =	sadd.s32 $0x3000, s31  }
0x87: {  	[tilespmem:s18], [sflag:$0x1] =	stream.indirect.gather [hbm4b:s2+s14], $0x80, s17, s14, $0xb8;
	[tilespmem:$0x18300] =	vst v63  }
.LBB2_5:
0x88: {  	_ =	sfence.sel $0x180000  }
0x89: {  	[bflag:$0x0] =	sbarrier.arrive $0xFFFF  }
0x8a: {  	_ =	strace $0x9000004A  }
0x8b: {  	s0 =	stileid.u32;
	[bflag:$0x2] =	sbarrier.arrive $0xFFFF  }
0x8c: {  	p0 =	sne.s32 s0, $0x0;
	s0 =	rddreg [dreg:$0x3]  }
0x8d: {  	s0 =	sadd.s32 @!p0 $0x100000, s0  }
0x8e: {  	[sflag:s0] =	ssyncadd.tile.s32 @!p0 $0x1;
	_ =	shalt  }
.Lfunc_end2:
_tile_overlayer_lowered:
.L_overlay_start_2:
0x8f: {  	(tag) =	ssettag $0x2  }
0x90: {  	s0 =	rddreg [dreg:$0x0];
	s2 =	stileid.u32  }
0x91: {  	s1 =	rddreg [dreg:$0x1];
	p0 =	sne.s32 s2, $0x0  }
0x92: {  	s3 =	rddreg [dreg:$0x2];
	[bflag:$0x3] =	sbarrier.arrive $0xFFFF;
	s2 =	simm.s32 @!p0 $0x1C05  }
0x93: {  	[timem:s3], [sflag:s2] =	dma.local @!p0 [hbm:s0], s1  }
0x94: {  	s0 =	simm.s32 @!p0 $0x5  }
0x95: {  	_ =	swait.ge @!p0 [sflag:s0], s1  }
0x96: {  	s1 =	ssub.s32 @!p0 $0x0, s1;
	[sflag:s0] =	ssyncset.done @!p0 $0x0  }
0x97: {  	[sflag:s0] =	ssyncadd.s32 @!p0 s1  }
0x98: {  	[bflag:$0x3] =	sbarrier.arrive $0xFFFF  }
0x99: {  	_ =	shalt  }

</sc_bundles>
